<compile_context>
chip_gen: v7x
topology: tpu7x:2x2x1
jax: 0.10.2.dev20260603
libtpu: 0.0.44.dev20260713+nightly
codegen_flags: <defaults>
</compile_context>

<pallas_src>
import functools

import jax
import jax.numpy as jnp
from jax import lax
from jax.experimental import pallas as pl
from jax.experimental.pallas import tpu as pltpu
from jax.experimental.pallas import tpu_sc as plsc

_BATCH = 16384
_Z_DIM = 64
_NUM_WORKERS = 32
_B_PER_W = _BATCH // _NUM_WORKERS
_IDX_ROW = 128
_N_CHUNKS = _B_PER_W // _IDX_ROW


def kernel(u, embed_mean, embed_log_var):
    idx = u.astype(jnp.int32).reshape(_BATCH // _IDX_ROW, _IDX_ROW)
    out_sds = jax.ShapeDtypeStruct((_BATCH, _Z_DIM), embed_mean.dtype)
    mesh = plsc.VectorSubcoreMesh(core_axis_name="c", subcore_axis_name="s")

    @jax.jit
    @functools.partial(
        pl.kernel,
        out_type=(out_sds, out_sds),
        mesh=mesh,
        compiler_params=pltpu.CompilerParams(
            skip_device_barrier=True, use_tc_tiling_on_sc=False),
        scratch_types=[
            pltpu.VMEM((_N_CHUNKS, _IDX_ROW), jnp.int32),
            pltpu.VMEM((_B_PER_W, _Z_DIM), jnp.float32),
            pltpu.VMEM((_B_PER_W, _Z_DIM), jnp.float32),
            pltpu.SemaphoreType.DMA,
            [pltpu.SemaphoreType.DMA for _ in range(_N_CHUNKS)],
            [pltpu.SemaphoreType.DMA for _ in range(_N_CHUNKS)],
            pltpu.SemaphoreType.DMA,
            pltpu.SemaphoreType.DMA,
        ],
    )
    def _gather(mean_hbm, logvar_hbm, idx_hbm, om_hbm, ov_hbm,
                idx_v, mrows, vrows, sem_i, sems_m, sems_v, sem_wm, sem_wv):
        wid = lax.axis_index("s") * 2 + lax.axis_index("c")
        base = wid * _B_PER_W
        pltpu.async_copy(
            idx_hbm.at[pl.ds(wid * _N_CHUNKS, _N_CHUNKS)], idx_v, sem_i
        ).wait()

        mcopies = []
        vcopies = []
        for j in range(_N_CHUNKS):
            rows = pl.ds(j * _IDX_ROW, _IDX_ROW)
            mcopies.append(pltpu.async_copy(
                mean_hbm.at[idx_v.at[j]], mrows.at[rows], sems_m[j]))
            vcopies.append(pltpu.async_copy(
                logvar_hbm.at[idx_v.at[j]], vrows.at[rows], sems_v[j]))

        wcopies = []
        for j in range(_N_CHUNKS):
            rows = pl.ds(j * _IDX_ROW, _IDX_ROW)
            out_rows = pl.ds(base + j * _IDX_ROW, _IDX_ROW)
            mcopies[j].wait()
            wcopies.append(pltpu.async_copy(
                mrows.at[rows], om_hbm.at[out_rows], sem_wm))
            vcopies[j].wait()
            wcopies.append(pltpu.async_copy(
                vrows.at[rows], ov_hbm.at[out_rows], sem_wv))
        for c in wcopies:
            c.wait()

    return _gather(embed_mean, embed_log_var, idx)

# --- scband reference (transcript-rebuilt; emitter-appended) ---
"""Pipeline reference for scband-zprior-discrete-10900626997264 (READ-ONLY COPY).

The authoritative reference and input builder live on the scoring server;
editing this copy changes nothing except your own understanding.
"""

import jax, jax.numpy as jnp
import numpy as np

U_DIM = 100000
Z_DIM = 64
BATCH = 16384

def setup_inputs(seed: int = 0) -> dict:
    key = jax.random.key(seed)
    k_u, k_mean, k_logvar = jax.random.split(key, 3)
    u = jax.random.randint(k_u, (BATCH,), 0, U_DIM, dtype=jnp.int64) if jax.config.jax_enable_x64 else jax.random.randint(k_u, (BATCH,), 0, U_DIM, dtype=jnp.int32)
    embed_mean = jax.random.normal(k_mean, (U_DIM, Z_DIM), dtype=jnp.float32)
    embed_log_var = jax.random.normal(k_logvar, (U_DIM, Z_DIM), dtype=jnp.float32)
    return {"u": u, "embed_mean": embed_mean, "embed_log_var": embed_log_var}

def reference(u, embed_mean, embed_log_var):
    lam_mean = jnp.take(embed_mean, u, axis=0)
    lam_log_var = jnp.take(embed_log_var, u, axis=0)
    return (lam_mean, lam_log_var)

if __name__ == "__main__":
    import jax
    _d = setup_inputs()
    print(jax.jit(kernel)(*tuple(_d.values())))

</pallas_src>

<mosaic_0001>
#map = affine_map<(d0, d1) -> (0, 0)>
module attributes {stable_mosaic.version = 14 : i64} {
  func.func @_gather(%arg0: i32, %arg1: i32, %arg2: memref<100000x64xf32, #tpu.memory_space<hbm>>, %arg3: memref<100000x64xf32, #tpu.memory_space<hbm>>, %arg4: memref<128x128xi32, #tpu.memory_space<hbm>>, %arg5: memref<16384x64xf32, #tpu.memory_space<hbm>>, %arg6: memref<16384x64xf32, #tpu.memory_space<hbm>>, %arg7: memref<4x128xi32, #tpu.memory_space<vmem>>, %arg8: memref<512x64xf32, #tpu.memory_space<vmem>>, %arg9: memref<512x64xf32, #tpu.memory_space<vmem>>, %arg10: memref<!tpu.dma_semaphore, #tpu.memory_space<semaphore_mem>>, %arg11: memref<!tpu.dma_semaphore, #tpu.memory_space<semaphore_mem>>, %arg12: memref<!tpu.dma_semaphore, #tpu.memory_space<semaphore_mem>>, %arg13: memref<!tpu.dma_semaphore, #tpu.memory_space<semaphore_mem>>, %arg14: memref<!tpu.dma_semaphore, #tpu.memory_space<semaphore_mem>>, %arg15: memref<!tpu.dma_semaphore, #tpu.memory_space<semaphore_mem>>, %arg16: memref<!tpu.dma_semaphore, #tpu.memory_space<semaphore_mem>>, %arg17: memref<!tpu.dma_semaphore, #tpu.memory_space<semaphore_mem>>, %arg18: memref<!tpu.dma_semaphore, #tpu.memory_space<semaphore_mem>>, %arg19: memref<!tpu.dma_semaphore, #tpu.memory_space<semaphore_mem>>, %arg20: memref<!tpu.dma_semaphore, #tpu.memory_space<semaphore_mem>>) attributes {dimension_semantics = [#tpu.dimension_semantics<core_parallel>, #tpu.dimension_semantics<subcore_parallel>], iteration_bounds = array<i64: 2, 16>, scalar_prefetch = 0 : i64, scratch_operands = 14 : i64, tpu.core_type = #tpu.core_type<sc_vector_subcore>, window_params = [{transform_indices = #map}, {transform_indices = #map}, {transform_indices = #map}, {transform_indices = #map}, {transform_indices = #map}]} {
    %mul3A = arith.constant 2 : i32
    %mul3A_0 = arith.muli %arg1, %mul3A : i32
    %add3A = arith.addi %mul3A_0, %arg0 : i32
    %mul3A_1 = arith.constant 512 : i32
    %mul3A_2 = arith.muli %add3A, %mul3A_1 : i32
    %mul3A_3 = arith.constant 4 : i32
    %mul3A_4 = arith.muli %add3A, %mul3A_3 : i32
    %dma_start3A = arith.constant 0 : i32
    %dma_start3A_5 = tpu.memref_slice %arg4[%mul3A_4, %dma_start3A] : memref<128x128xi32, #tpu.memory_space<hbm>> -> memref<4x128xi32, #tpu.memory_space<hbm>>
    %dma_start3A_6 = arith.constant 0 : i32
    %dma_start3A_7 = tpu.memref_slice %arg4[%mul3A_4, %dma_start3A_6] : memref<128x128xi32, #tpu.memory_space<hbm>> -> memref<4x128xi32, #tpu.memory_space<hbm>>
    tpu.enqueue_dma source(%dma_start3A_7 : memref<4x128xi32, #tpu.memory_space<hbm>>) target(%arg7 : memref<4x128xi32, #tpu.memory_space<vmem>>) target_semaphore(%arg10 : memref<!tpu.dma_semaphore, #tpu.memory_space<semaphore_mem>>)
    %dma_wait3A = arith.constant 0 : i32
    %dma_wait3A_8 = tpu.memref_slice %arg4[%mul3A_4, %dma_wait3A] : memref<128x128xi32, #tpu.memory_space<hbm>> -> memref<4x128xi32, #tpu.memory_space<hbm>>
    %dma_wait3A_9 = arith.constant 0 : i32
    %dma_wait3A_10 = tpu.memref_slice %arg4[%mul3A_4, %dma_wait3A_9] : memref<128x128xi32, #tpu.memory_space<hbm>> -> memref<4x128xi32, #tpu.memory_space<hbm>>
    tpu.wait_dma2 semaphore(%arg10 : memref<!tpu.dma_semaphore, #tpu.memory_space<semaphore_mem>>) src(%dma_wait3A_10 : memref<4x128xi32, #tpu.memory_space<hbm>>) dst(%arg7 : memref<4x128xi32, #tpu.memory_space<vmem>>)
    %dma_start3A_11 = arith.constant 0 : i32
    %dma_start3A_12 = arith.constant 0 : i32
    %dma_start3A_13 = arith.constant 0 : i32
    %dma_start3A_14 = tpu.memref_slice %arg8[%dma_start3A_12, %dma_start3A_13] : memref<512x64xf32, #tpu.memory_space<vmem>> -> memref<128x64xf32, #tpu.memory_space<vmem>>
    %dma_start3A_15 = arith.constant 0 : i32
    %dma_start3A_16 = tpu.memref_slice %arg7[%dma_start3A_11, %dma_start3A_15] : memref<4x128xi32, #tpu.memory_space<vmem>> -> memref<1x128xi32, #tpu.memory_space<vmem>>
    %dma_start3A_17 = tpu.memref_squeeze %dma_start3A_16 : memref<1x128xi32, #tpu.memory_space<vmem>> -> memref<128xi32, #tpu.memory_space<vmem>>
    %dma_start3A_18 = arith.constant 0 : i32
    %dma_start3A_19 = arith.constant 0 : i32
    %dma_start3A_20 = tpu.memref_slice %arg2[%dma_start3A_18, %dma_start3A_19] : memref<100000x64xf32, #tpu.memory_space<hbm>> -> memref<100000x64xf32, #tpu.memory_space<hbm>>
    tpu.enqueue_indirect_dma source(%dma_start3A_20 : memref<100000x64xf32, #tpu.memory_space<hbm>>) target(%dma_start3A_14 : memref<128x64xf32, #tpu.memory_space<vmem>>) offsets(%dma_start3A_17 : memref<128xi32, #tpu.memory_space<vmem>>) semaphore(%arg11 : memref<!tpu.dma_semaphore, #tpu.memory_space<semaphore_mem>>)
    %dma_start3A_21 = arith.constant 0 : i32
    %dma_start3A_22 = arith.constant 0 : i32
    %dma_start3A_23 = arith.constant 0 : i32
    %dma_start3A_24 = tpu.memref_slice %arg9[%dma_start3A_22, %dma_start3A_23] : memref<512x64xf32, #tpu.memory_space<vmem>> -> memref<128x64xf32, #tpu.memory_space<vmem>>
    %dma_start3A_25 = arith.constant 0 : i32
    %dma_start3A_26 = tpu.memref_slice %arg7[%dma_start3A_21, %dma_start3A_25] : memref<4x128xi32, #tpu.memory_space<vmem>> -> memref<1x128xi32, #tpu.memory_space<vmem>>
    %dma_start3A_27 = tpu.memref_squeeze %dma_start3A_26 : memref<1x128xi32, #tpu.memory_space<vmem>> -> memref<128xi32, #tpu.memory_space<vmem>>
    %dma_start3A_28 = arith.constant 0 : i32
    %dma_start3A_29 = arith.constant 0 : i32
    %dma_start3A_30 = tpu.memref_slice %arg3[%dma_start3A_28, %dma_start3A_29] : memref<100000x64xf32, #tpu.memory_space<hbm>> -> memref<100000x64xf32, #tpu.memory_space<hbm>>
    tpu.enqueue_indirect_dma source(%dma_start3A_30 : memref<100000x64xf32, #tpu.memory_space<hbm>>) target(%dma_start3A_24 : memref<128x64xf32, #tpu.memory_space<vmem>>) offsets(%dma_start3A_27 : memref<128xi32, #tpu.memory_space<vmem>>) semaphore(%arg15 : memref<!tpu.dma_semaphore, #tpu.memory_space<semaphore_mem>>)
    %dma_start3A_31 = arith.constant 1 : i32
    %dma_start3A_32 = arith.constant 128 : i32
    %dma_start3A_33 = arith.constant 0 : i32
    %dma_start3A_34 = tpu.memref_slice %arg8[%dma_start3A_32, %dma_start3A_33] : memref<512x64xf32, #tpu.memory_space<vmem>> -> memref<128x64xf32, #tpu.memory_space<vmem>>
    %dma_start3A_35 = arith.constant 0 : i32
    %dma_start3A_36 = tpu.memref_slice %arg7[%dma_start3A_31, %dma_start3A_35] : memref<4x128xi32, #tpu.memory_space<vmem>> -> memref<1x128xi32, #tpu.memory_space<vmem>>
    %dma_start3A_37 = tpu.memref_squeeze %dma_start3A_36 : memref<1x128xi32, #tpu.memory_space<vmem>> -> memref<128xi32, #tpu.memory_space<vmem>>
    %dma_start3A_38 = arith.constant 0 : i32
    %dma_start3A_39 = arith.constant 0 : i32
    %dma_start3A_40 = tpu.memref_slice %arg2[%dma_start3A_38, %dma_start3A_39] : memref<100000x64xf32, #tpu.memory_space<hbm>> -> memref<100000x64xf32, #tpu.memory_space<hbm>>
    tpu.enqueue_indirect_dma source(%dma_start3A_40 : memref<100000x64xf32, #tpu.memory_space<hbm>>) target(%dma_start3A_34 : memref<128x64xf32, #tpu.memory_space<vmem>>) offsets(%dma_start3A_37 : memref<128xi32, #tpu.memory_space<vmem>>) semaphore(%arg12 : memref<!tpu.dma_semaphore, #tpu.memory_space<semaphore_mem>>)
    %dma_start3A_41 = arith.constant 1 : i32
    %dma_start3A_42 = arith.constant 128 : i32
    %dma_start3A_43 = arith.constant 0 : i32
    %dma_start3A_44 = tpu.memref_slice %arg9[%dma_start3A_42, %dma_start3A_43] : memref<512x64xf32, #tpu.memory_space<vmem>> -> memref<128x64xf32, #tpu.memory_space<vmem>>
    %dma_start3A_45 = arith.constant 0 : i32
    %dma_start3A_46 = tpu.memref_slice %arg7[%dma_start3A_41, %dma_start3A_45] : memref<4x128xi32, #tpu.memory_space<vmem>> -> memref<1x128xi32, #tpu.memory_space<vmem>>
    %dma_start3A_47 = tpu.memref_squeeze %dma_start3A_46 : memref<1x128xi32, #tpu.memory_space<vmem>> -> memref<128xi32, #tpu.memory_space<vmem>>
    %dma_start3A_48 = arith.constant 0 : i32
    %dma_start3A_49 = arith.constant 0 : i32
    %dma_start3A_50 = tpu.memref_slice %arg3[%dma_start3A_48, %dma_start3A_49] : memref<100000x64xf32, #tpu.memory_space<hbm>> -> memref<100000x64xf32, #tpu.memory_space<hbm>>
    tpu.enqueue_indirect_dma source(%dma_start3A_50 : memref<100000x64xf32, #tpu.memory_space<hbm>>) target(%dma_start3A_44 : memref<128x64xf32, #tpu.memory_space<vmem>>) offsets(%dma_start3A_47 : memref<128xi32, #tpu.memory_space<vmem>>) semaphore(%arg16 : memref<!tpu.dma_semaphore, #tpu.memory_space<semaphore_mem>>)
    %dma_start3A_51 = arith.constant 2 : i32
    %dma_start3A_52 = arith.constant 256 : i32
    %dma_start3A_53 = arith.constant 0 : i32
    %dma_start3A_54 = tpu.memref_slice %arg8[%dma_start3A_52, %dma_start3A_53] : memref<512x64xf32, #tpu.memory_space<vmem>> -> memref<128x64xf32, #tpu.memory_space<vmem>>
    %dma_start3A_55 = arith.constant 0 : i32
    %dma_start3A_56 = tpu.memref_slice %arg7[%dma_start3A_51, %dma_start3A_55] : memref<4x128xi32, #tpu.memory_space<vmem>> -> memref<1x128xi32, #tpu.memory_space<vmem>>
    %dma_start3A_57 = tpu.memref_squeeze %dma_start3A_56 : memref<1x128xi32, #tpu.memory_space<vmem>> -> memref<128xi32, #tpu.memory_space<vmem>>
    %dma_start3A_58 = arith.constant 0 : i32
    %dma_start3A_59 = arith.constant 0 : i32
    %dma_start3A_60 = tpu.memref_slice %arg2[%dma_start3A_58, %dma_start3A_59] : memref<100000x64xf32, #tpu.memory_space<hbm>> -> memref<100000x64xf32, #tpu.memory_space<hbm>>
    tpu.enqueue_indirect_dma source(%dma_start3A_60 : memref<100000x64xf32, #tpu.memory_space<hbm>>) target(%dma_start3A_54 : memref<128x64xf32, #tpu.memory_space<vmem>>) offsets(%dma_start3A_57 : memref<128xi32, #tpu.memory_space<vmem>>) semaphore(%arg13 : memref<!tpu.dma_semaphore, #tpu.memory_space<semaphore_mem>>)
    %dma_start3A_61 = arith.constant 2 : i32
    %dma_start3A_62 = arith.constant 256 : i32
    %dma_start3A_63 = arith.constant 0 : i32
    %dma_start3A_64 = tpu.memref_slice %arg9[%dma_start3A_62, %dma_start3A_63] : memref<512x64xf32, #tpu.memory_space<vmem>> -> memref<128x64xf32, #tpu.memory_space<vmem>>
    %dma_start3A_65 = arith.constant 0 : i32
    %dma_start3A_66 = tpu.memref_slice %arg7[%dma_start3A_61, %dma_start3A_65] : memref<4x128xi32, #tpu.memory_space<vmem>> -> memref<1x128xi32, #tpu.memory_space<vmem>>
    %dma_start3A_67 = tpu.memref_squeeze %dma_start3A_66 : memref<1x128xi32, #tpu.memory_space<vmem>> -> memref<128xi32, #tpu.memory_space<vmem>>
    %dma_start3A_68 = arith.constant 0 : i32
    %dma_start3A_69 = arith.constant 0 : i32
    %dma_start3A_70 = tpu.memref_slice %arg3[%dma_start3A_68, %dma_start3A_69] : memref<100000x64xf32, #tpu.memory_space<hbm>> -> memref<100000x64xf32, #tpu.memory_space<hbm>>
    tpu.enqueue_indirect_dma source(%dma_start3A_70 : memref<100000x64xf32, #tpu.memory_space<hbm>>) target(%dma_start3A_64 : memref<128x64xf32, #tpu.memory_space<vmem>>) offsets(%dma_start3A_67 : memref<128xi32, #tpu.memory_space<vmem>>) semaphore(%arg17 : memref<!tpu.dma_semaphore, #tpu.memory_space<semaphore_mem>>)
    %dma_start3A_71 = arith.constant 3 : i32
    %dma_start3A_72 = arith.constant 384 : i32
    %dma_start3A_73 = arith.constant 0 : i32
    %dma_start3A_74 = tpu.memref_slice %arg8[%dma_start3A_72, %dma_start3A_73] : memref<512x64xf32, #tpu.memory_space<vmem>> -> memref<128x64xf32, #tpu.memory_space<vmem>>
    %dma_start3A_75 = arith.constant 0 : i32
    %dma_start3A_76 = tpu.memref_slice %arg7[%dma_start3A_71, %dma_start3A_75] : memref<4x128xi32, #tpu.memory_space<vmem>> -> memref<1x128xi32, #tpu.memory_space<vmem>>
    %dma_start3A_77 = tpu.memref_squeeze %dma_start3A_76 : memref<1x128xi32, #tpu.memory_space<vmem>> -> memref<128xi32, #tpu.memory_space<vmem>>
    %dma_start3A_78 = arith.constant 0 : i32
    %dma_start3A_79 = arith.constant 0 : i32
    %dma_start3A_80 = tpu.memref_slice %arg2[%dma_start3A_78, %dma_start3A_79] : memref<100000x64xf32, #tpu.memory_space<hbm>> -> memref<100000x64xf32, #tpu.memory_space<hbm>>
    tpu.enqueue_indirect_dma source(%dma_start3A_80 : memref<100000x64xf32, #tpu.memory_space<hbm>>) target(%dma_start3A_74 : memref<128x64xf32, #tpu.memory_space<vmem>>) offsets(%dma_start3A_77 : memref<128xi32, #tpu.memory_space<vmem>>) semaphore(%arg14 : memref<!tpu.dma_semaphore, #tpu.memory_space<semaphore_mem>>)
    %dma_start3A_81 = arith.constant 3 : i32
    %dma_start3A_82 = arith.constant 384 : i32
    %dma_start3A_83 = arith.constant 0 : i32
    %dma_start3A_84 = tpu.memref_slice %arg9[%dma_start3A_82, %dma_start3A_83] : memref<512x64xf32, #tpu.memory_space<vmem>> -> memref<128x64xf32, #tpu.memory_space<vmem>>
    %dma_start3A_85 = arith.constant 0 : i32
    %dma_start3A_86 = tpu.memref_slice %arg7[%dma_start3A_81, %dma_start3A_85] : memref<4x128xi32, #tpu.memory_space<vmem>> -> memref<1x128xi32, #tpu.memory_space<vmem>>
    %dma_start3A_87 = tpu.memref_squeeze %dma_start3A_86 : memref<1x128xi32, #tpu.memory_space<vmem>> -> memref<128xi32, #tpu.memory_space<vmem>>
    %dma_start3A_88 = arith.constant 0 : i32
    %dma_start3A_89 = arith.constant 0 : i32
    %dma_start3A_90 = tpu.memref_slice %arg3[%dma_start3A_88, %dma_start3A_89] : memref<100000x64xf32, #tpu.memory_space<hbm>> -> memref<100000x64xf32, #tpu.memory_space<hbm>>
    tpu.enqueue_indirect_dma source(%dma_start3A_90 : memref<100000x64xf32, #tpu.memory_space<hbm>>) target(%dma_start3A_84 : memref<128x64xf32, #tpu.memory_space<vmem>>) offsets(%dma_start3A_87 : memref<128xi32, #tpu.memory_space<vmem>>) semaphore(%arg18 : memref<!tpu.dma_semaphore, #tpu.memory_space<semaphore_mem>>)
    %add3A_91 = arith.constant 0 : i32
    %add3A_92 = arith.addi %mul3A_2, %add3A_91 : i32
    %dma_wait3A_93 = arith.constant 0 : i32
    %dma_wait3A_94 = arith.constant 0 : i32
    %dma_wait3A_95 = arith.constant 0 : i32
    %dma_wait3A_96 = tpu.memref_slice %arg8[%dma_wait3A_94, %dma_wait3A_95] : memref<512x64xf32, #tpu.memory_space<vmem>> -> memref<128x64xf32, #tpu.memory_space<vmem>>
    %dma_wait3A_97 = arith.constant 0 : i32
    %dma_wait3A_98 = tpu.memref_slice %arg7[%dma_wait3A_93, %dma_wait3A_97] : memref<4x128xi32, #tpu.memory_space<vmem>> -> memref<1x128xi32, #tpu.memory_space<vmem>>
    %dma_wait3A_99 = tpu.memref_squeeze %dma_wait3A_98 : memref<1x128xi32, #tpu.memory_space<vmem>> -> memref<128xi32, #tpu.memory_space<vmem>>
    %dma_wait3A_100 = arith.constant 0 : i32
    %dma_wait3A_101 = arith.constant 0 : i32
    %dma_wait3A_102 = tpu.memref_slice %arg2[%dma_wait3A_100, %dma_wait3A_101] : memref<100000x64xf32, #tpu.memory_space<hbm>> -> memref<100000x64xf32, #tpu.memory_space<hbm>>
    tpu.wait_indirect_dma semaphore(%arg11 : memref<!tpu.dma_semaphore, #tpu.memory_space<semaphore_mem>>) src(%dma_wait3A_102 : memref<100000x64xf32, #tpu.memory_space<hbm>>) dst(%dma_wait3A_96 : memref<128x64xf32, #tpu.memory_space<vmem>>)
    %dma_start3A_103 = arith.constant 0 : i32
    %dma_start3A_104 = arith.constant 0 : i32
    %dma_start3A_105 = tpu.memref_slice %arg8[%dma_start3A_103, %dma_start3A_104] : memref<512x64xf32, #tpu.memory_space<vmem>> -> memref<128x64xf32, #tpu.memory_space<vmem>>
    %dma_start3A_106 = arith.constant 0 : i32
    %dma_start3A_107 = tpu.memref_slice %arg5[%add3A_92, %dma_start3A_106] : memref<16384x64xf32, #tpu.memory_space<hbm>> -> memref<128x64xf32, #tpu.memory_space<hbm>>
    %dma_start3A_108 = arith.constant 0 : i32
    %dma_start3A_109 = tpu.memref_slice %arg5[%add3A_92, %dma_start3A_108] : memref<16384x64xf32, #tpu.memory_space<hbm>> -> memref<128x64xf32, #tpu.memory_space<hbm>>
    %dma_start3A_110 = arith.constant 0 : i32
    %dma_start3A_111 = arith.constant 0 : i32
    %dma_start3A_112 = tpu.memref_slice %arg8[%dma_start3A_110, %dma_start3A_111] : memref<512x64xf32, #tpu.memory_space<vmem>> -> memref<128x64xf32, #tpu.memory_space<vmem>>
    tpu.enqueue_dma source(%dma_start3A_112 : memref<128x64xf32, #tpu.memory_space<vmem>>) target(%dma_start3A_109 : memref<128x64xf32, #tpu.memory_space<hbm>>) target_semaphore(%arg19 : memref<!tpu.dma_semaphore, #tpu.memory_space<semaphore_mem>>)
    %dma_wait3A_113 = arith.constant 0 : i32
    %dma_wait3A_114 = arith.constant 0 : i32
    %dma_wait3A_115 = arith.constant 0 : i32
    %dma_wait3A_116 = tpu.memref_slice %arg9[%dma_wait3A_114, %dma_wait3A_115] : memref<512x64xf32, #tpu.memory_space<vmem>> -> memref<128x64xf32, #tpu.memory_space<vmem>>
    %dma_wait3A_117 = arith.constant 0 : i32
    %dma_wait3A_118 = tpu.memref_slice %arg7[%dma_wait3A_113, %dma_wait3A_117] : memref<4x128xi32, #tpu.memory_space<vmem>> -> memref<1x128xi32, #tpu.memory_space<vmem>>
    %dma_wait3A_119 = tpu.memref_squeeze %dma_wait3A_118 : memref<1x128xi32, #tpu.memory_space<vmem>> -> memref<128xi32, #tpu.memory_space<vmem>>
    %dma_wait3A_120 = arith.constant 0 : i32
    %dma_wait3A_121 = arith.constant 0 : i32
    %dma_wait3A_122 = tpu.memref_slice %arg3[%dma_wait3A_120, %dma_wait3A_121] : memref<100000x64xf32, #tpu.memory_space<hbm>> -> memref<100000x64xf32, #tpu.memory_space<hbm>>
    tpu.wait_indirect_dma semaphore(%arg15 : memref<!tpu.dma_semaphore, #tpu.memory_space<semaphore_mem>>) src(%dma_wait3A_122 : memref<100000x64xf32, #tpu.memory_space<hbm>>) dst(%dma_wait3A_116 : memref<128x64xf32, #tpu.memory_space<vmem>>)
    %dma_start3A_123 = arith.constant 0 : i32
    %dma_start3A_124 = arith.constant 0 : i32
    %dma_start3A_125 = tpu.memref_slice %arg9[%dma_start3A_123, %dma_start3A_124] : memref<512x64xf32, #tpu.memory_space<vmem>> -> memref<128x64xf32, #tpu.memory_space<vmem>>
    %dma_start3A_126 = arith.constant 0 : i32
    %dma_start3A_127 = tpu.memref_slice %arg6[%add3A_92, %dma_start3A_126] : memref<16384x64xf32, #tpu.memory_space<hbm>> -> memref<128x64xf32, #tpu.memory_space<hbm>>
    %dma_start3A_128 = arith.constant 0 : i32
    %dma_start3A_129 = tpu.memref_slice %arg6[%add3A_92, %dma_start3A_128] : memref<16384x64xf32, #tpu.memory_space<hbm>> -> memref<128x64xf32, #tpu.memory_space<hbm>>
    %dma_start3A_130 = arith.constant 0 : i32
    %dma_start3A_131 = arith.constant 0 : i32
    %dma_start3A_132 = tpu.memref_slice %arg9[%dma_start3A_130, %dma_start3A_131] : memref<512x64xf32, #tpu.memory_space<vmem>> -> memref<128x64xf32, #tpu.memory_space<vmem>>
    tpu.enqueue_dma source(%dma_start3A_132 : memref<128x64xf32, #tpu.memory_space<vmem>>) target(%dma_start3A_129 : memref<128x64xf32, #tpu.memory_space<hbm>>) target_semaphore(%arg20 : memref<!tpu.dma_semaphore, #tpu.memory_space<semaphore_mem>>)
    %add3A_133 = arith.constant 128 : i32
    %add3A_134 = arith.addi %mul3A_2, %add3A_133 : i32
    %dma_wait3A_135 = arith.constant 1 : i32
    %dma_wait3A_136 = arith.constant 128 : i32
    %dma_wait3A_137 = arith.constant 0 : i32
    %dma_wait3A_138 = tpu.memref_slice %arg8[%dma_wait3A_136, %dma_wait3A_137] : memref<512x64xf32, #tpu.memory_space<vmem>> -> memref<128x64xf32, #tpu.memory_space<vmem>>
    %dma_wait3A_139 = arith.constant 0 : i32
    %dma_wait3A_140 = tpu.memref_slice %arg7[%dma_wait3A_135, %dma_wait3A_139] : memref<4x128xi32, #tpu.memory_space<vmem>> -> memref<1x128xi32, #tpu.memory_space<vmem>>
    %dma_wait3A_141 = tpu.memref_squeeze %dma_wait3A_140 : memref<1x128xi32, #tpu.memory_space<vmem>> -> memref<128xi32, #tpu.memory_space<vmem>>
    %dma_wait3A_142 = arith.constant 0 : i32
    %dma_wait3A_143 = arith.constant 0 : i32
    %dma_wait3A_144 = tpu.memref_slice %arg2[%dma_wait3A_142, %dma_wait3A_143] : memref<100000x64xf32, #tpu.memory_space<hbm>> -> memref<100000x64xf32, #tpu.memory_space<hbm>>
    tpu.wait_indirect_dma semaphore(%arg12 : memref<!tpu.dma_semaphore, #tpu.memory_space<semaphore_mem>>) src(%dma_wait3A_144 : memref<100000x64xf32, #tpu.memory_space<hbm>>) dst(%dma_wait3A_138 : memref<128x64xf32, #tpu.memory_space<vmem>>)
    %dma_start3A_145 = arith.constant 128 : i32
    %dma_start3A_146 = arith.constant 0 : i32
    %dma_start3A_147 = tpu.memref_slice %arg8[%dma_start3A_145, %dma_start3A_146] : memref<512x64xf32, #tpu.memory_space<vmem>> -> memref<128x64xf32, #tpu.memory_space<vmem>>
    %dma_start3A_148 = arith.constant 0 : i32
    %dma_start3A_149 = tpu.memref_slice %arg5[%add3A_134, %dma_start3A_148] : memref<16384x64xf32, #tpu.memory_space<hbm>> -> memref<128x64xf32, #tpu.memory_space<hbm>>
    %dma_start3A_150 = arith.constant 0 : i32
    %dma_start3A_151 = tpu.memref_slice %arg5[%add3A_134, %dma_start3A_150] : memref<16384x64xf32, #tpu.memory_space<hbm>> -> memref<128x64xf32, #tpu.memory_space<hbm>>
    %dma_start3A_152 = arith.constant 128 : i32
    %dma_start3A_153 = arith.constant 0 : i32
    %dma_start3A_154 = tpu.memref_slice %arg8[%dma_start3A_152, %dma_start3A_153] : memref<512x64xf32, #tpu.memory_space<vmem>> -> memref<128x64xf32, #tpu.memory_space<vmem>>
    tpu.enqueue_dma source(%dma_start3A_154 : memref<128x64xf32, #tpu.memory_space<vmem>>) target(%dma_start3A_151 : memref<128x64xf32, #tpu.memory_space<hbm>>) target_semaphore(%arg19 : memref<!tpu.dma_semaphore, #tpu.memory_space<semaphore_mem>>)
    %dma_wait3A_155 = arith.constant 1 : i32
    %dma_wait3A_156 = arith.constant 128 : i32
    %dma_wait3A_157 = arith.constant 0 : i32
    %dma_wait3A_158 = tpu.memref_slice %arg9[%dma_wait3A_156, %dma_wait3A_157] : memref<512x64xf32, #tpu.memory_space<vmem>> -> memref<128x64xf32, #tpu.memory_space<vmem>>
    %dma_wait3A_159 = arith.constant 0 : i32
    %dma_wait3A_160 = tpu.memref_slice %arg7[%dma_wait3A_155, %dma_wait3A_159] : memref<4x128xi32, #tpu.memory_space<vmem>> -> memref<1x128xi32, #tpu.memory_space<vmem>>
    %dma_wait3A_161 = tpu.memref_squeeze %dma_wait3A_160 : memref<1x128xi32, #tpu.memory_space<vmem>> -> memref<128xi32, #tpu.memory_space<vmem>>
    %dma_wait3A_162 = arith.constant 0 : i32
    %dma_wait3A_163 = arith.constant 0 : i32
    %dma_wait3A_164 = tpu.memref_slice %arg3[%dma_wait3A_162, %dma_wait3A_163] : memref<100000x64xf32, #tpu.memory_space<hbm>> -> memref<100000x64xf32, #tpu.memory_space<hbm>>
    tpu.wait_indirect_dma semaphore(%arg16 : memref<!tpu.dma_semaphore, #tpu.memory_space<semaphore_mem>>) src(%dma_wait3A_164 : memref<100000x64xf32, #tpu.memory_space<hbm>>) dst(%dma_wait3A_158 : memref<128x64xf32, #tpu.memory_space<vmem>>)
    %dma_start3A_165 = arith.constant 128 : i32
    %dma_start3A_166 = arith.constant 0 : i32
    %dma_start3A_167 = tpu.memref_slice %arg9[%dma_start3A_165, %dma_start3A_166] : memref<512x64xf32, #tpu.memory_space<vmem>> -> memref<128x64xf32, #tpu.memory_space<vmem>>
    %dma_start3A_168 = arith.constant 0 : i32
    %dma_start3A_169 = tpu.memref_slice %arg6[%add3A_134, %dma_start3A_168] : memref<16384x64xf32, #tpu.memory_space<hbm>> -> memref<128x64xf32, #tpu.memory_space<hbm>>
    %dma_start3A_170 = arith.constant 0 : i32
    %dma_start3A_171 = tpu.memref_slice %arg6[%add3A_134, %dma_start3A_170] : memref<16384x64xf32, #tpu.memory_space<hbm>> -> memref<128x64xf32, #tpu.memory_space<hbm>>
    %dma_start3A_172 = arith.constant 128 : i32
    %dma_start3A_173 = arith.constant 0 : i32
    %dma_start3A_174 = tpu.memref_slice %arg9[%dma_start3A_172, %dma_start3A_173] : memref<512x64xf32, #tpu.memory_space<vmem>> -> memref<128x64xf32, #tpu.memory_space<vmem>>
    tpu.enqueue_dma source(%dma_start3A_174 : memref<128x64xf32, #tpu.memory_space<vmem>>) target(%dma_start3A_171 : memref<128x64xf32, #tpu.memory_space<hbm>>) target_semaphore(%arg20 : memref<!tpu.dma_semaphore, #tpu.memory_space<semaphore_mem>>)
    %add3A_175 = arith.constant 256 : i32
    %add3A_176 = arith.addi %mul3A_2, %add3A_175 : i32
    %dma_wait3A_177 = arith.constant 2 : i32
    %dma_wait3A_178 = arith.constant 256 : i32
    %dma_wait3A_179 = arith.constant 0 : i32
    %dma_wait3A_180 = tpu.memref_slice %arg8[%dma_wait3A_178, %dma_wait3A_179] : memref<512x64xf32, #tpu.memory_space<vmem>> -> memref<128x64xf32, #tpu.memory_space<vmem>>
    %dma_wait3A_181 = arith.constant 0 : i32
    %dma_wait3A_182 = tpu.memref_slice %arg7[%dma_wait3A_177, %dma_wait3A_181] : memref<4x128xi32, #tpu.memory_space<vmem>> -> memref<1x128xi32, #tpu.memory_space<vmem>>
    %dma_wait3A_183 = tpu.memref_squeeze %dma_wait3A_182 : memref<1x128xi32, #tpu.memory_space<vmem>> -> memref<128xi32, #tpu.memory_space<vmem>>
    %dma_wait3A_184 = arith.constant 0 : i32
    %dma_wait3A_185 = arith.constant 0 : i32
    %dma_wait3A_186 = tpu.memref_slice %arg2[%dma_wait3A_184, %dma_wait3A_185] : memref<100000x64xf32, #tpu.memory_space<hbm>> -> memref<100000x64xf32, #tpu.memory_space<hbm>>
    tpu.wait_indirect_dma semaphore(%arg13 : memref<!tpu.dma_semaphore, #tpu.memory_space<semaphore_mem>>) src(%dma_wait3A_186 : memref<100000x64xf32, #tpu.memory_space<hbm>>) dst(%dma_wait3A_180 : memref<128x64xf32, #tpu.memory_space<vmem>>)
    %dma_start3A_187 = arith.constant 256 : i32
    %dma_start3A_188 = arith.constant 0 : i32
    %dma_start3A_189 = tpu.memref_slice %arg8[%dma_start3A_187, %dma_start3A_188] : memref<512x64xf32, #tpu.memory_space<vmem>> -> memref<128x64xf32, #tpu.memory_space<vmem>>
    %dma_start3A_190 = arith.constant 0 : i32
    %dma_start3A_191 = tpu.memref_slice %arg5[%add3A_176, %dma_start3A_190] : memref<16384x64xf32, #tpu.memory_space<hbm>> -> memref<128x64xf32, #tpu.memory_space<hbm>>
    %dma_start3A_192 = arith.constant 0 : i32
    %dma_start3A_193 = tpu.memref_slice %arg5[%add3A_176, %dma_start3A_192] : memref<16384x64xf32, #tpu.memory_space<hbm>> -> memref<128x64xf32, #tpu.memory_space<hbm>>
    %dma_start3A_194 = arith.constant 256 : i32
    %dma_start3A_195 = arith.constant 0 : i32
    %dma_start3A_196 = tpu.memref_slice %arg8[%dma_start3A_194, %dma_start3A_195] : memref<512x64xf32, #tpu.memory_space<vmem>> -> memref<128x64xf32, #tpu.memory_space<vmem>>
    tpu.enqueue_dma source(%dma_start3A_196 : memref<128x64xf32, #tpu.memory_space<vmem>>) target(%dma_start3A_193 : memref<128x64xf32, #tpu.memory_space<hbm>>) target_semaphore(%arg19 : memref<!tpu.dma_semaphore, #tpu.memory_space<semaphore_mem>>)
    %dma_wait3A_197 = arith.constant 2 : i32
    %dma_wait3A_198 = arith.constant 256 : i32
    %dma_wait3A_199 = arith.constant 0 : i32
    %dma_wait3A_200 = tpu.memref_slice %arg9[%dma_wait3A_198, %dma_wait3A_199] : memref<512x64xf32, #tpu.memory_space<vmem>> -> memref<128x64xf32, #tpu.memory_space<vmem>>
    %dma_wait3A_201 = arith.constant 0 : i32
    %dma_wait3A_202 = tpu.memref_slice %arg7[%dma_wait3A_197, %dma_wait3A_201] : memref<4x128xi32, #tpu.memory_space<vmem>> -> memref<1x128xi32, #tpu.memory_space<vmem>>
    %dma_wait3A_203 = tpu.memref_squeeze %dma_wait3A_202 : memref<1x128xi32, #tpu.memory_space<vmem>> -> memref<128xi32, #tpu.memory_space<vmem>>
    %dma_wait3A_204 = arith.constant 0 : i32
    %dma_wait3A_205 = arith.constant 0 : i32
    %dma_wait3A_206 = tpu.memref_slice %arg3[%dma_wait3A_204, %dma_wait3A_205] : memref<100000x64xf32, #tpu.memory_space<hbm>> -> memref<100000x64xf32, #tpu.memory_space<hbm>>
    tpu.wait_indirect_dma semaphore(%arg17 : memref<!tpu.dma_semaphore, #tpu.memory_space<semaphore_mem>>) src(%dma_wait3A_206 : memref<100000x64xf32, #tpu.memory_space<hbm>>) dst(%dma_wait3A_200 : memref<128x64xf32, #tpu.memory_space<vmem>>)
    %dma_start3A_207 = arith.constant 256 : i32
    %dma_start3A_208 = arith.constant 0 : i32
    %dma_start3A_209 = tpu.memref_slice %arg9[%dma_start3A_207, %dma_start3A_208] : memref<512x64xf32, #tpu.memory_space<vmem>> -> memref<128x64xf32, #tpu.memory_space<vmem>>
    %dma_start3A_210 = arith.constant 0 : i32
    %dma_start3A_211 = tpu.memref_slice %arg6[%add3A_176, %dma_start3A_210] : memref<16384x64xf32, #tpu.memory_space<hbm>> -> memref<128x64xf32, #tpu.memory_space<hbm>>
    %dma_start3A_212 = arith.constant 0 : i32
    %dma_start3A_213 = tpu.memref_slice %arg6[%add3A_176, %dma_start3A_212] : memref<16384x64xf32, #tpu.memory_space<hbm>> -> memref<128x64xf32, #tpu.memory_space<hbm>>
    %dma_start3A_214 = arith.constant 256 : i32
    %dma_start3A_215 = arith.constant 0 : i32
    %dma_start3A_216 = tpu.memref_slice %arg9[%dma_start3A_214, %dma_start3A_215] : memref<512x64xf32, #tpu.memory_space<vmem>> -> memref<128x64xf32, #tpu.memory_space<vmem>>
    tpu.enqueue_dma source(%dma_start3A_216 : memref<128x64xf32, #tpu.memory_space<vmem>>) target(%dma_start3A_213 : memref<128x64xf32, #tpu.memory_space<hbm>>) target_semaphore(%arg20 : memref<!tpu.dma_semaphore, #tpu.memory_space<semaphore_mem>>)
    %add3A_217 = arith.constant 384 : i32
    %add3A_218 = arith.addi %mul3A_2, %add3A_217 : i32
    %dma_wait3A_219 = arith.constant 3 : i32
    %dma_wait3A_220 = arith.constant 384 : i32
    %dma_wait3A_221 = arith.constant 0 : i32
    %dma_wait3A_222 = tpu.memref_slice %arg8[%dma_wait3A_220, %dma_wait3A_221] : memref<512x64xf32, #tpu.memory_space<vmem>> -> memref<128x64xf32, #tpu.memory_space<vmem>>
    %dma_wait3A_223 = arith.constant 0 : i32
    %dma_wait3A_224 = tpu.memref_slice %arg7[%dma_wait3A_219, %dma_wait3A_223] : memref<4x128xi32, #tpu.memory_space<vmem>> -> memref<1x128xi32, #tpu.memory_space<vmem>>
    %dma_wait3A_225 = tpu.memref_squeeze %dma_wait3A_224 : memref<1x128xi32, #tpu.memory_space<vmem>> -> memref<128xi32, #tpu.memory_space<vmem>>
    %dma_wait3A_226 = arith.constant 0 : i32
    %dma_wait3A_227 = arith.constant 0 : i32
    %dma_wait3A_228 = tpu.memref_slice %arg2[%dma_wait3A_226, %dma_wait3A_227] : memref<100000x64xf32, #tpu.memory_space<hbm>> -> memref<100000x64xf32, #tpu.memory_space<hbm>>
    tpu.wait_indirect_dma semaphore(%arg14 : memref<!tpu.dma_semaphore, #tpu.memory_space<semaphore_mem>>) src(%dma_wait3A_228 : memref<100000x64xf32, #tpu.memory_space<hbm>>) dst(%dma_wait3A_222 : memref<128x64xf32, #tpu.memory_space<vmem>>)
    %dma_start3A_229 = arith.constant 384 : i32
    %dma_start3A_230 = arith.constant 0 : i32
    %dma_start3A_231 = tpu.memref_slice %arg8[%dma_start3A_229, %dma_start3A_230] : memref<512x64xf32, #tpu.memory_space<vmem>> -> memref<128x64xf32, #tpu.memory_space<vmem>>
    %dma_start3A_232 = arith.constant 0 : i32
    %dma_start3A_233 = tpu.memref_slice %arg5[%add3A_218, %dma_start3A_232] : memref<16384x64xf32, #tpu.memory_space<hbm>> -> memref<128x64xf32, #tpu.memory_space<hbm>>
    %dma_start3A_234 = arith.constant 0 : i32
    %dma_start3A_235 = tpu.memref_slice %arg5[%add3A_218, %dma_start3A_234] : memref<16384x64xf32, #tpu.memory_space<hbm>> -> memref<128x64xf32, #tpu.memory_space<hbm>>
    %dma_start3A_236 = arith.constant 384 : i32
    %dma_start3A_237 = arith.constant 0 : i32
    %dma_start3A_238 = tpu.memref_slice %arg8[%dma_start3A_236, %dma_start3A_237] : memref<512x64xf32, #tpu.memory_space<vmem>> -> memref<128x64xf32, #tpu.memory_space<vmem>>
    tpu.enqueue_dma source(%dma_start3A_238 : memref<128x64xf32, #tpu.memory_space<vmem>>) target(%dma_start3A_235 : memref<128x64xf32, #tpu.memory_space<hbm>>) target_semaphore(%arg19 : memref<!tpu.dma_semaphore, #tpu.memory_space<semaphore_mem>>)
    %dma_wait3A_239 = arith.constant 3 : i32
    %dma_wait3A_240 = arith.constant 384 : i32
    %dma_wait3A_241 = arith.constant 0 : i32
    %dma_wait3A_242 = tpu.memref_slice %arg9[%dma_wait3A_240, %dma_wait3A_241] : memref<512x64xf32, #tpu.memory_space<vmem>> -> memref<128x64xf32, #tpu.memory_space<vmem>>
    %dma_wait3A_243 = arith.constant 0 : i32
    %dma_wait3A_244 = tpu.memref_slice %arg7[%dma_wait3A_239, %dma_wait3A_243] : memref<4x128xi32, #tpu.memory_space<vmem>> -> memref<1x128xi32, #tpu.memory_space<vmem>>
    %dma_wait3A_245 = tpu.memref_squeeze %dma_wait3A_244 : memref<1x128xi32, #tpu.memory_space<vmem>> -> memref<128xi32, #tpu.memory_space<vmem>>
    %dma_wait3A_246 = arith.constant 0 : i32
    %dma_wait3A_247 = arith.constant 0 : i32
    %dma_wait3A_248 = tpu.memref_slice %arg3[%dma_wait3A_246, %dma_wait3A_247] : memref<100000x64xf32, #tpu.memory_space<hbm>> -> memref<100000x64xf32, #tpu.memory_space<hbm>>
    tpu.wait_indirect_dma semaphore(%arg18 : memref<!tpu.dma_semaphore, #tpu.memory_space<semaphore_mem>>) src(%dma_wait3A_248 : memref<100000x64xf32, #tpu.memory_space<hbm>>) dst(%dma_wait3A_242 : memref<128x64xf32, #tpu.memory_space<vmem>>)
    %dma_start3A_249 = arith.constant 384 : i32
    %dma_start3A_250 = arith.constant 0 : i32
    %dma_start3A_251 = tpu.memref_slice %arg9[%dma_start3A_249, %dma_start3A_250] : memref<512x64xf32, #tpu.memory_space<vmem>> -> memref<128x64xf32, #tpu.memory_space<vmem>>
    %dma_start3A_252 = arith.constant 0 : i32
    %dma_start3A_253 = tpu.memref_slice %arg6[%add3A_218, %dma_start3A_252] : memref<16384x64xf32, #tpu.memory_space<hbm>> -> memref<128x64xf32, #tpu.memory_space<hbm>>
    %dma_start3A_254 = arith.constant 0 : i32
    %dma_start3A_255 = tpu.memref_slice %arg6[%add3A_218, %dma_start3A_254] : memref<16384x64xf32, #tpu.memory_space<hbm>> -> memref<128x64xf32, #tpu.memory_space<hbm>>
    %dma_start3A_256 = arith.constant 384 : i32
    %dma_start3A_257 = arith.constant 0 : i32
    %dma_start3A_258 = tpu.memref_slice %arg9[%dma_start3A_256, %dma_start3A_257] : memref<512x64xf32, #tpu.memory_space<vmem>> -> memref<128x64xf32, #tpu.memory_space<vmem>>
    tpu.enqueue_dma source(%dma_start3A_258 : memref<128x64xf32, #tpu.memory_space<vmem>>) target(%dma_start3A_255 : memref<128x64xf32, #tpu.memory_space<hbm>>) target_semaphore(%arg20 : memref<!tpu.dma_semaphore, #tpu.memory_space<semaphore_mem>>)
    %dma_wait3A_259 = arith.constant 0 : i32
    %dma_wait3A_260 = arith.constant 0 : i32
    %dma_wait3A_261 = tpu.memref_slice %arg8[%dma_wait3A_259, %dma_wait3A_260] : memref<512x64xf32, #tpu.memory_space<vmem>> -> memref<128x64xf32, #tpu.memory_space<vmem>>
    %dma_wait3A_262 = arith.constant 0 : i32
    %dma_wait3A_263 = tpu.memref_slice %arg5[%add3A_92, %dma_wait3A_262] : memref<16384x64xf32, #tpu.memory_space<hbm>> -> memref<128x64xf32, #tpu.memory_space<hbm>>
    %dma_wait3A_264 = arith.constant 0 : i32
    %dma_wait3A_265 = tpu.memref_slice %arg5[%add3A_92, %dma_wait3A_264] : memref<16384x64xf32, #tpu.memory_space<hbm>> -> memref<128x64xf32, #tpu.memory_space<hbm>>
    %dma_wait3A_266 = arith.constant 0 : i32
    %dma_wait3A_267 = arith.constant 0 : i32
    %dma_wait3A_268 = tpu.memref_slice %arg8[%dma_wait3A_266, %dma_wait3A_267] : memref<512x64xf32, #tpu.memory_space<vmem>> -> memref<128x64xf32, #tpu.memory_space<vmem>>
    tpu.wait_dma2 semaphore(%arg19 : memref<!tpu.dma_semaphore, #tpu.memory_space<semaphore_mem>>) src(%dma_wait3A_268 : memref<128x64xf32, #tpu.memory_space<vmem>>) dst(%dma_wait3A_265 : memref<128x64xf32, #tpu.memory_space<hbm>>)
    %dma_wait3A_269 = arith.constant 0 : i32
    %dma_wait3A_270 = arith.constant 0 : i32
    %dma_wait3A_271 = tpu.memref_slice %arg9[%dma_wait3A_269, %dma_wait3A_270] : memref<512x64xf32, #tpu.memory_space<vmem>> -> memref<128x64xf32, #tpu.memory_space<vmem>>
    %dma_wait3A_272 = arith.constant 0 : i32
    %dma_wait3A_273 = tpu.memref_slice %arg6[%add3A_92, %dma_wait3A_272] : memref<16384x64xf32, #tpu.memory_space<hbm>> -> memref<128x64xf32, #tpu.memory_space<hbm>>
    %dma_wait3A_274 = arith.constant 0 : i32
    %dma_wait3A_275 = tpu.memref_slice %arg6[%add3A_92, %dma_wait3A_274] : memref<16384x64xf32, #tpu.memory_space<hbm>> -> memref<128x64xf32, #tpu.memory_space<hbm>>
    %dma_wait3A_276 = arith.constant 0 : i32
    %dma_wait3A_277 = arith.constant 0 : i32
    %dma_wait3A_278 = tpu.memref_slice %arg9[%dma_wait3A_276, %dma_wait3A_277] : memref<512x64xf32, #tpu.memory_space<vmem>> -> memref<128x64xf32, #tpu.memory_space<vmem>>
    tpu.wait_dma2 semaphore(%arg20 : memref<!tpu.dma_semaphore, #tpu.memory_space<semaphore_mem>>) src(%dma_wait3A_278 : memref<128x64xf32, #tpu.memory_space<vmem>>) dst(%dma_wait3A_275 : memref<128x64xf32, #tpu.memory_space<hbm>>)
    %dma_wait3A_279 = arith.constant 128 : i32
    %dma_wait3A_280 = arith.constant 0 : i32
    %dma_wait3A_281 = tpu.memref_slice %arg8[%dma_wait3A_279, %dma_wait3A_280] : memref<512x64xf32, #tpu.memory_space<vmem>> -> memref<128x64xf32, #tpu.memory_space<vmem>>
    %dma_wait3A_282 = arith.constant 0 : i32
    %dma_wait3A_283 = tpu.memref_slice %arg5[%add3A_134, %dma_wait3A_282] : memref<16384x64xf32, #tpu.memory_space<hbm>> -> memref<128x64xf32, #tpu.memory_space<hbm>>
    %dma_wait3A_284 = arith.constant 0 : i32
    %dma_wait3A_285 = tpu.memref_slice %arg5[%add3A_134, %dma_wait3A_284] : memref<16384x64xf32, #tpu.memory_space<hbm>> -> memref<128x64xf32, #tpu.memory_space<hbm>>
    %dma_wait3A_286 = arith.constant 128 : i32
    %dma_wait3A_287 = arith.constant 0 : i32
    %dma_wait3A_288 = tpu.memref_slice %arg8[%dma_wait3A_286, %dma_wait3A_287] : memref<512x64xf32, #tpu.memory_space<vmem>> -> memref<128x64xf32, #tpu.memory_space<vmem>>
    tpu.wait_dma2 semaphore(%arg19 : memref<!tpu.dma_semaphore, #tpu.memory_space<semaphore_mem>>) src(%dma_wait3A_288 : memref<128x64xf32, #tpu.memory_space<vmem>>) dst(%dma_wait3A_285 : memref<128x64xf32, #tpu.memory_space<hbm>>)
    %dma_wait3A_289 = arith.constant 128 : i32
    %dma_wait3A_290 = arith.constant 0 : i32
    %dma_wait3A_291 = tpu.memref_slice %arg9[%dma_wait3A_289, %dma_wait3A_290] : memref<512x64xf32, #tpu.memory_space<vmem>> -> memref<128x64xf32, #tpu.memory_space<vmem>>
    %dma_wait3A_292 = arith.constant 0 : i32
    %dma_wait3A_293 = tpu.memref_slice %arg6[%add3A_134, %dma_wait3A_292] : memref<16384x64xf32, #tpu.memory_space<hbm>> -> memref<128x64xf32, #tpu.memory_space<hbm>>
    %dma_wait3A_294 = arith.constant 0 : i32
    %dma_wait3A_295 = tpu.memref_slice %arg6[%add3A_134, %dma_wait3A_294] : memref<16384x64xf32, #tpu.memory_space<hbm>> -> memref<128x64xf32, #tpu.memory_space<hbm>>
    %dma_wait3A_296 = arith.constant 128 : i32
    %dma_wait3A_297 = arith.constant 0 : i32
    %dma_wait3A_298 = tpu.memref_slice %arg9[%dma_wait3A_296, %dma_wait3A_297] : memref<512x64xf32, #tpu.memory_space<vmem>> -> memref<128x64xf32, #tpu.memory_space<vmem>>
    tpu.wait_dma2 semaphore(%arg20 : memref<!tpu.dma_semaphore, #tpu.memory_space<semaphore_mem>>) src(%dma_wait3A_298 : memref<128x64xf32, #tpu.memory_space<vmem>>) dst(%dma_wait3A_295 : memref<128x64xf32, #tpu.memory_space<hbm>>)
    %dma_wait3A_299 = arith.constant 256 : i32
    %dma_wait3A_300 = arith.constant 0 : i32
    %dma_wait3A_301 = tpu.memref_slice %arg8[%dma_wait3A_299, %dma_wait3A_300] : memref<512x64xf32, #tpu.memory_space<vmem>> -> memref<128x64xf32, #tpu.memory_space<vmem>>
    %dma_wait3A_302 = arith.constant 0 : i32
    %dma_wait3A_303 = tpu.memref_slice %arg5[%add3A_176, %dma_wait3A_302] : memref<16384x64xf32, #tpu.memory_space<hbm>> -> memref<128x64xf32, #tpu.memory_space<hbm>>
    %dma_wait3A_304 = arith.constant 0 : i32
    %dma_wait3A_305 = tpu.memref_slice %arg5[%add3A_176, %dma_wait3A_304] : memref<16384x64xf32, #tpu.memory_space<hbm>> -> memref<128x64xf32, #tpu.memory_space<hbm>>
    %dma_wait3A_306 = arith.constant 256 : i32
    %dma_wait3A_307 = arith.constant 0 : i32
    %dma_wait3A_308 = tpu.memref_slice %arg8[%dma_wait3A_306, %dma_wait3A_307] : memref<512x64xf32, #tpu.memory_space<vmem>> -> memref<128x64xf32, #tpu.memory_space<vmem>>
    tpu.wait_dma2 semaphore(%arg19 : memref<!tpu.dma_semaphore, #tpu.memory_space<semaphore_mem>>) src(%dma_wait3A_308 : memref<128x64xf32, #tpu.memory_space<vmem>>) dst(%dma_wait3A_305 : memref<128x64xf32, #tpu.memory_space<hbm>>)
    %dma_wait3A_309 = arith.constant 256 : i32
    %dma_wait3A_310 = arith.constant 0 : i32
    %dma_wait3A_311 = tpu.memref_slice %arg9[%dma_wait3A_309, %dma_wait3A_310] : memref<512x64xf32, #tpu.memory_space<vmem>> -> memref<128x64xf32, #tpu.memory_space<vmem>>
    %dma_wait3A_312 = arith.constant 0 : i32
    %dma_wait3A_313 = tpu.memref_slice %arg6[%add3A_176, %dma_wait3A_312] : memref<16384x64xf32, #tpu.memory_space<hbm>> -> memref<128x64xf32, #tpu.memory_space<hbm>>
    %dma_wait3A_314 = arith.constant 0 : i32
    %dma_wait3A_315 = tpu.memref_slice %arg6[%add3A_176, %dma_wait3A_314] : memref<16384x64xf32, #tpu.memory_space<hbm>> -> memref<128x64xf32, #tpu.memory_space<hbm>>
    %dma_wait3A_316 = arith.constant 256 : i32
    %dma_wait3A_317 = arith.constant 0 : i32
    %dma_wait3A_318 = tpu.memref_slice %arg9[%dma_wait3A_316, %dma_wait3A_317] : memref<512x64xf32, #tpu.memory_space<vmem>> -> memref<128x64xf32, #tpu.memory_space<vmem>>
    tpu.wait_dma2 semaphore(%arg20 : memref<!tpu.dma_semaphore, #tpu.memory_space<semaphore_mem>>) src(%dma_wait3A_318 : memref<128x64xf32, #tpu.memory_space<vmem>>) dst(%dma_wait3A_315 : memref<128x64xf32, #tpu.memory_space<hbm>>)
    %dma_wait3A_319 = arith.constant 384 : i32
    %dma_wait3A_320 = arith.constant 0 : i32
    %dma_wait3A_321 = tpu.memref_slice %arg8[%dma_wait3A_319, %dma_wait3A_320] : memref<512x64xf32, #tpu.memory_space<vmem>> -> memref<128x64xf32, #tpu.memory_space<vmem>>
    %dma_wait3A_322 = arith.constant 0 : i32
    %dma_wait3A_323 = tpu.memref_slice %arg5[%add3A_218, %dma_wait3A_322] : memref<16384x64xf32, #tpu.memory_space<hbm>> -> memref<128x64xf32, #tpu.memory_space<hbm>>
    %dma_wait3A_324 = arith.constant 0 : i32
    %dma_wait3A_325 = tpu.memref_slice %arg5[%add3A_218, %dma_wait3A_324] : memref<16384x64xf32, #tpu.memory_space<hbm>> -> memref<128x64xf32, #tpu.memory_space<hbm>>
    %dma_wait3A_326 = arith.constant 384 : i32
    %dma_wait3A_327 = arith.constant 0 : i32
    %dma_wait3A_328 = tpu.memref_slice %arg8[%dma_wait3A_326, %dma_wait3A_327] : memref<512x64xf32, #tpu.memory_space<vmem>> -> memref<128x64xf32, #tpu.memory_space<vmem>>
    tpu.wait_dma2 semaphore(%arg19 : memref<!tpu.dma_semaphore, #tpu.memory_space<semaphore_mem>>) src(%dma_wait3A_328 : memref<128x64xf32, #tpu.memory_space<vmem>>) dst(%dma_wait3A_325 : memref<128x64xf32, #tpu.memory_space<hbm>>)
    %dma_wait3A_329 = arith.constant 384 : i32
    %dma_wait3A_330 = arith.constant 0 : i32
    %dma_wait3A_331 = tpu.memref_slice %arg9[%dma_wait3A_329, %dma_wait3A_330] : memref<512x64xf32, #tpu.memory_space<vmem>> -> memref<128x64xf32, #tpu.memory_space<vmem>>
    %dma_wait3A_332 = arith.constant 0 : i32
    %dma_wait3A_333 = tpu.memref_slice %arg6[%add3A_218, %dma_wait3A_332] : memref<16384x64xf32, #tpu.memory_space<hbm>> -> memref<128x64xf32, #tpu.memory_space<hbm>>
    %dma_wait3A_334 = arith.constant 0 : i32
    %dma_wait3A_335 = tpu.memref_slice %arg6[%add3A_218, %dma_wait3A_334] : memref<16384x64xf32, #tpu.memory_space<hbm>> -> memref<128x64xf32, #tpu.memory_space<hbm>>
    %dma_wait3A_336 = arith.constant 384 : i32
    %dma_wait3A_337 = arith.constant 0 : i32
    %dma_wait3A_338 = tpu.memref_slice %arg9[%dma_wait3A_336, %dma_wait3A_337] : memref<512x64xf32, #tpu.memory_space<vmem>> -> memref<128x64xf32, #tpu.memory_space<vmem>>
    tpu.wait_dma2 semaphore(%arg20 : memref<!tpu.dma_semaphore, #tpu.memory_space<semaphore_mem>>) src(%dma_wait3A_338 : memref<128x64xf32, #tpu.memory_space<vmem>>) dst(%dma_wait3A_335 : memref<128x64xf32, #tpu.memory_space<hbm>>)
    return
  }
}

</mosaic_0001>

<sc_bundles>
// kernel: wrapper.3.cloned.1.call-start
scs
__scs_entry_jumppad:
0x0: {  	(pc) =	sbr.rel $0x88, $3  }
0x1: {  	(tag) =	ssettag $0x0;
	lr =	simm.s32 $0x1  }
0x2: {  	[smem:$0x3F9E] =	sst lr;
	_ =	strace $0xD0000000  }
0x3: {  	_ = 	snop  }
0x4: {  	_ = 	snop  }
0x5: {  	_ = 	snop  }
0x6: {  	_ = 	snop  }
0x7: {  	_ = 	snop  }
__scs_overlays_trampoline_lowered:
0x8: {  	[smem:$0x3FAD] =	sst s0  }
0x9: {  	[smem:$0x3FAE] =	sst s1  }
0xa: {  	[smem:$0x3FAF] =	sst s2  }
0xb: {  	[smem:$0x3FB0] =	sst s3  }
0xc: {  	[smem:$0x3FB1] =	sst s4  }
0xd: {  	[smem:$0x3FB2] =	sst s5  }
0xe: {  	[smem:$0x3FB3] =	sst s6  }
0xf: {  	[smem:$0x3FB4] =	sst s7  }
0x10: {  	[smem:$0x3FB5] =	sst s8  }
0x11: {  	[smem:$0x3FB6] =	sst s9;
	s0 =	simm.s32 @!p0 $0x0  }
0x12: {  	s1 =	sld [smem:$0x3F9C];
	s0 =	simm.s32 @p0 $0x1  }
0x13: {  	[smem:$0x3FB7] =	sst s0;
	s0 =	simm.s32 @!p1 $0x0  }
0x14: {  	s2 =	sld [smem:$0x3F9B];
	s0 =	simm.s32 @p1 $0x1  }
0x15: {  	[smem:$0x3FB8] =	sst s0;
	s0 =	simm.s32 @!p2 $0x0  }
0x16: {  	s3 =	sld [smem:$0x3FDB];
	s0 =	simm.s32 @p2 $0x1  }
0x17: {  	s4 =	simm.s32 $0x1BF5;
	[smem:$0x3FBA] =	sst s0  }
0x18: {  	s0 =	sld [smem:$0x3F9D];
	_ =	swait.ge [sflag:s4], $0x0  }
0x19: {  	s7 =	sld [smem:$0x3F9E]  }
0x1a: {  	s8 =	sadd.s32 $0xFFFFE003, lr  }
0x1b: {  	s9 =	sadd.s32 $0xFFFFFEF7, lr;
	s5 =	simm.s32 $0xFFFFFFFF;
	p2 =	slt.u32 s8, $0xFFFFF086  }
0x1c: {  	p1 =	slt.u32 s9, $0xF7A;
	s5 =	simm.s32 @!p2 $0x0  }
0x1d: {  	s5 =	simm.s32 @p1 $0x1;
	p0 =	seq.s32 s7, s2  }
0x1e: {  	s7 =	smul.u32 @!p0 $0xF7A, s2;
	p2 =	seq.s32 @!p0 s5, $0x0  }
0x1f: {  	s9 =	smul.u32 $0xF7A, s1;
	s8 =	simm.s32 @!p0 $0x1BF5;
	p2 =	por !p2, p0  }
0x20: {  	[sflag:s8] =	ssyncset.s32 @!p0 $0xFFFFF086;
	s6 =	sadd.s32 @!p0 s3, s7;
	s7 =	simm.s32 @!p0 $0x108  }
0x21: {  	s3 =	sadd.s32 s3, s9;
	s6 =	sadd.s32 @!p0 $0x88, s6;
	s7 =	simm.s32 @p2 $0x1082  }
0x22: {  	[simem:s7], [sflag:s8] =	dma.local @!p0 [hbm:s6], $0xF7A  }
0x23: {  	s9 =	sor.u32 $0xD0000000, s2;
	s6 =	simm.s32 $0x108;
	_ =	swait.ge @!p0 [sflag:s8], $0x0  }
0x24: {  	s3 =	sadd.s32 $0x88, s3;
	s6 =	simm.s32 @!p1 $0x1082;
	[sflag:s4] =	ssyncset.s32 $0xFFFFF086  }
0x25: {  	[simem:s6], [sflag:s4] =	dma.local [hbm:s3], $0xF7A  }
0x26: {  	[smem:$0x3F9E] =	sst s1;
	(tag) =	ssettag s2;
	_ =	strace s9  }
0x27: {  	s1 =	sld [smem:$0x3FAE]  }
0x28: {  	s2 =	sld [smem:$0x3FAF]  }
0x29: {  	s4 =	sld [smem:$0x3FB1]  }
0x2a: {  	p0 =	seq.s32 s5, $0x0;
	s5 =	sld [smem:$0x3FB2]  }
0x2b: {  	s6 =	sld [smem:$0x3FB3]  }
0x2c: {  	s7 =	sld [smem:$0x3FB4]  }
0x2d: {  	s3 =	simm.s32 $0x108;
	s8 =	sld [smem:$0x3FB5]  }
0x2e: {  	s3 =	simm.s32 @!p0 $0x1082;
	s9 =	sld [smem:$0x3FB6]  }
0x2f: {  	lr =	sadd.s32 s0, s3;
	s0 =	sld [smem:$0x3FAD]  }
0x30: {  	s3 =	sld [smem:$0x3FB0]  }
0x31: {  	[smem:$0x3FB9] =	sst s10  }
0x32: {  	s10 =	sld [smem:$0x3FB7];
	_ =	sdelay $0x3  }
0x33: {  	p0 =	seq.s32 s10, $0x1;
	s10 =	sld [smem:$0x3FB9];
	_ =	sdelay $0x3  }
0x34: {  	[smem:$0x3FB9] =	sst s10  }
0x35: {  	s10 =	sld [smem:$0x3FB8];
	_ =	sdelay $0x3  }
0x36: {  	p1 =	seq.s32 s10, $0x1;
	s10 =	sld [smem:$0x3FB9];
	_ =	sdelay $0x3  }
0x37: {  	[smem:$0x3FB9] =	sst s10  }
0x38: {  	s10 =	sld [smem:$0x3FBA]  }
0x39: {  	_ = 	snop;
	(pc) =	sbr.ind lr, $3  }
0x3a: {  	_ = 	snop  }
0x3b: {  	_ = 	snop  }
0x3c: {  	p2 =	seq.s32 s10, $0x1;
	s10 =	sld [smem:$0x3FB9]  }
0x3d: {  	_ =	shalt  }
0x3e: {  	_ =	shalt  }
0x3f: {  	_ =	shalt  }
0x40: {  	_ =	shalt  }
0x41: {  	_ =	shalt  }
0x42: {  	_ =	shalt  }
0x43: {  	_ =	shalt  }
0x44: {  	_ =	shalt  }
0x45: {  	_ =	shalt  }
0x46: {  	_ =	shalt  }
0x47: {  	_ =	shalt  }
0x48: {  	_ =	shalt  }
0x49: {  	_ =	shalt  }
0x4a: {  	_ =	shalt  }
0x4b: {  	_ =	shalt  }
0x4c: {  	_ =	shalt  }
0x4d: {  	_ =	shalt  }
0x4e: {  	_ =	shalt  }
0x4f: {  	_ =	shalt  }
0x50: {  	_ =	shalt  }
0x51: {  	_ =	shalt  }
0x52: {  	_ =	shalt  }
0x53: {  	_ =	shalt  }
0x54: {  	_ =	shalt  }
0x55: {  	_ =	shalt  }
0x56: {  	_ =	shalt  }
0x57: {  	_ =	shalt  }
0x58: {  	_ =	shalt  }
0x59: {  	_ =	shalt  }
0x5a: {  	_ =	shalt  }
0x5b: {  	_ =	shalt  }
0x5c: {  	_ =	shalt  }
0x5d: {  	_ =	shalt  }
0x5e: {  	_ =	shalt  }
0x5f: {  	_ =	shalt  }
0x60: {  	_ =	shalt  }
0x61: {  	_ =	shalt  }
0x62: {  	_ =	shalt  }
0x63: {  	_ =	shalt  }
0x64: {  	_ =	shalt  }
0x65: {  	_ =	shalt  }
0x66: {  	_ =	shalt  }
0x67: {  	_ =	shalt  }
0x68: {  	_ =	shalt  }
0x69: {  	_ =	shalt  }
0x6a: {  	_ =	shalt  }
0x6b: {  	_ =	shalt  }
0x6c: {  	_ =	shalt  }
0x6d: {  	_ =	shalt  }
0x6e: {  	_ =	shalt  }
0x6f: {  	_ =	shalt  }
0x70: {  	_ =	shalt  }
0x71: {  	_ =	shalt  }
0x72: {  	_ =	shalt  }
0x73: {  	_ =	shalt  }
0x74: {  	_ =	shalt  }
0x75: {  	_ =	shalt  }
0x76: {  	_ =	shalt  }
0x77: {  	_ =	shalt  }
0x78: {  	_ =	shalt  }
0x79: {  	_ =	shalt  }
0x7a: {  	_ =	shalt  }
0x7b: {  	_ =	shalt  }
0x7c: {  	_ =	shalt  }
0x7d: {  	_ =	shalt  }
0x7e: {  	_ =	shalt  }
0x7f: {  	_ =	shalt  }
0x80: {  	_ =	shalt  }
0x81: {  	_ =	shalt  }
0x82: {  	_ =	shalt  }
0x83: {  	_ =	shalt  }
0x84: {  	_ =	shalt  }
0x85: {  	_ =	shalt  }
0x86: {  	_ =	shalt  }
0x87: {  	_ =	shalt  }
.Lfunc_end0:
.L_simem_size_0:
called_computation_lowered:
.L_overlay_start_0:
0x88: {  	s2 =	sld [smem:$0x3FD9]  }
0x89: {  	s3 =	sld [smem:$0x3FFE];
	_ =	sdelay $0x1  }
0x8a: {  	s1 =	srdreg.scid  }
0x8b: {  	s0 =	sand.u32 $0x1, s1  }
0x8c: {  	s14 =	sshll.u32 s0, $0xA;
	s2 =	sadd.s32 s3, s2  }
0x8d: {  	s2 =	sadd.s32 s2, s14  }
0x8e: {  	[smem:$0x3FC5] =	sst s2  }
0x8f: {  	_ = 	snop  }
0x90: {  	s2 =	sld [smem:$0x3FD0];
	_ =	sdelay $0x2  }
0x91: {  	s4 =	simm.s32 $0xA;
	s5 =	simm.s32 $0x10;
	s15 =	sld [smem:$0x3FC7]  }
0x92: {  	[smem:s5], [sflag:s4] =	dma.local [hbm:s2], $0x1  }
0x93: {  	_ =	swait.eq [sflag:s4], $0x1  }
0x94: {  	[sflag:s4] =	ssyncset.done $0x0  }
0x95: {  	s16 =	sld [smem:$0x10];
	[sflag:s4] =	ssyncadd.s32 $0xFFFFFFFF  }
0x96: {  	s17 =	sld [smem:$0x11];
	(tm) =	ssettm $0x1  }
0x97: {  	s18 =	sld [smem:$0x3FFB];
	_ =	sdelay $0x3  }
0x98: {  	_ =	strace s18  }
0x99: {  	s5 =	sld [smem:$0x3FFC];
	_ =	sdelay $0x3  }
0x9a: {  	_ =	strace s5  }
0x9b: {  	s5 =	sld [smem:$0x3FFD];
	_ =	sdelay $0x3  }
0x9c: {  	_ =	strace s5  }
0x9d: {  	_ =	strace $0x8FFFFFFF  }
0x9e: {  	s19 =	sld [smem:$0x3FDB];
	_ =	sdelay $0x1  }
0x9f: {  	s6 =	simm.s32 $_scs_section_size  }
0xa0: {  	s7 =	simm.s32 $_size__tile_overlayer_lowered;
	s8 =	simm.s32 $_tile_overlayer_lowered  }
0xa1: {  	s22 =	simm.s32 $0x1BFF;
	s21 =	sshll.u32 s8, $0x1;
	s5 =	sadd.s32 s6, s19  }
0xa2: {  	s9 =	simm.s32 $0x0;
	s20 =	sshll.u32 s7, $0x1;
	s7 =	sadd.s32 s21, s5  }
0xa3: {  	[timem:s9], [sflag:s22] =	dma.local [hbm:s7], s20  }
0xa4: {  	_ =	swait.ge [sflag:s22], s20  }
0xa5: {  	s6 =	ssub.s32 $0x0, s20;
	[sflag:s22] =	ssyncset.done $0x0  }
0xa6: {  	[sflag:s22] =	ssyncadd.s32 s6;
	_ =	sdelay $0x1  }
0xa7: {  	s23 =	simm.s32 $0x1B8B  }
0xa8: {  	_ =	swait.ge [sflag:s23], $0x1  }
0xa9: {  	[sflag:s23] =	ssyncset.done $0x0  }
0xaa: {  	s25 =	simm.s32 $0x1B8E;
	s24 =	sld [smem:$0x3FFE];
	[sflag:s23] =	ssyncadd.s32 $0xFFFFFFFF  }
0xab: {  	s26 =	simm.s32 $execute0_lowered;
	[smem:$0x3FD2] =	sst s25  }
0xac: {  	s7 =	sshll.u32 s26, $0x1;
	_ =	strace $0x80000046;
	[dreg:$0x1] =	wrdreg $0xFFFFFFFF  }
0xad: {  	s28 =	simm.s32 $_size_execute0_lowered;
	s5 =	sadd.s32 s5, s7;
	[dreg:$0x0] =	wrdreg $0x0  }
0xae: {  	s7 =	sshll.u32 s28, $0x1;
	[dreg:$0x2] =	wrdreg s5  }
0xaf: {  	[dreg:$0x3] =	wrdreg s7  }
0xb0: {  	[dreg:$0x4] =	wrdreg $0xC0  }
0xb1: {  	_ =	task [dreg:s9], $0x5FFFF  }
0xb2: {  	[dreg:$0x1] =	wrdreg $0xFFFFFFFF  }
0xb3: {  	[dreg:$0x0] =	wrdreg $0x60  }
0xb4: {  	[dreg:$0x2] =	wrdreg s24  }
0xb5: {  	[dreg:$0x3] =	wrdreg s15  }
0xb6: {  	[dreg:$0x4] =	wrdreg s16  }
0xb7: {  	[dreg:$0x5] =	wrdreg s17  }
0xb8: {  	[dreg:$0x6] =	wrdreg $0x9  }
0xb9: {  	_ =	task.clear_ibuf [dreg:s9], $0x7FFFF;
	_ =	strace $0x90000046  }
0xba: {  	s29 =	simm.s32 $0x9;
	_ =	strace $0x80000048  }
0xbb: {  	_ =	swait.ge [sflag:s29], $0x1  }
0xbc: {  	[sflag:s29] =	ssyncadd.s32 $0xFFFFFFFF  }
0xbd: {  	_ =	strace $0x90000048  }
0xbe: {  	_ =	sfence  }
0xbf: {  	s30 =	sld [smem:$0x0];
	_ =	sdelay $0x2  }
0xc0: {  	s31 =	sshll.u32 s1, $0xD;
	s1 =	sshrl.u32 s1, $0x2  }
0xc1: {  	s3 =	sand.u32 $0x4000, s31;
	s1 =	sadd.s32 s1, s30  }
0xc2: {  	s0 =	sor.u32 s3, s0;
	s1 =	sshll.u32 s1, $0x11  }
0xc3: {  	s0 =	sor.u32 s1, s0  }
0xc4: {  	s0 =	sadd.s32 $0x8F2B, s0  }
0xc5: {  	[sflag:s0] =	ssyncadd.remote.s32 $0x1  }
0xc6: {  	_ =	sfence.sel $0xFFFF  }
0xc7: {  	[dreg:$0x0] =	wrdreg $0xFFFFFFFF;
	(pc) =	sbr.abs _section_cstart, $3  }
0xc8: {  	[dreg:$0x1] =	wrdreg $0xFFFFFFFF  }
0xc9: {  	_ =	task.clear_ibuf [dreg:s9], $0x2FFFF;
	_ =	strace $0x9FFFFFFF  }
0xca: {  	(tm) =	ssettm $0x7FFFFFFF  }
0xcb: {  	_ =	shalt  }
tec
execute0_lowered:
.L_overlay_start_1:
0x0: {  	(tag) =	ssettag $0x1  }
0x1: {  	s0 =	rddreg [dreg:$0x0]  }
0x2: {  	s1 =	rddreg [dreg:$0x1]  }
0x3: {  	s3 =	rddreg [dreg:$0x2]  }
0x4: {  	s4 =	rddreg [dreg:$0x3]  }
0x5: {  	s2 =	simm.s32 $0x0;
	s5 =	srdreg.scid;
	s6 =	stileid.u32  }
0x6: {  	s28 =	simm.s32 $0x1;
	s25 =	simm.s32 $0x80;
	s23 =	simm.s32 $0x200  }
0x7: {  	s29 =	simm.s32 $0x100;
	s31 =	simm.s32 $0x180;
	s12 =	simm.s32 $0x6200  }
0x8: {  	s9 =	simm.s32 $0xE200;
	s30 =	simm.s32 $0x2;
	s26 =	simm.s32 $0x6  }
0x9: {  	s24 =	simm.s32 $0x3;
	p0 =	por $0x0, $0x0;
	[smem:$0x7FF] =	sst s2  }
0xa: {  	s5 =	sand.u32 $0x1, s5;
	s6 =	sshll.u32 s6, $0x1;
	s10 =	sadd.s32 $0x189000, s0  }
0xb: {  	s11 =	sadd.s32 $0x24C600, s0;
	_ =	strace $0x80000047;
	s6 =	sor.u32 s5, s6  }
0xc: {  	s5 =	ssub.s32 $0x2, s5;
	s13 =	sshll.u32 s6, $0x6;
	s14 =	sshll.u32 s6, $0xC  }
0xd: {  	s15 =	sshrl.u32 s5, $0x1;
	s0 =	sadd.s32 s1, s13;
	s16 =	sadd.s32 s3, s14  }
0xe: {  	s17 =	sadd.s32 s4, s14;
	s7 =	sor.u32 $0x400, s14;
	s6 =	ssub.s32 s5, s15  }
0xf: {  	s20 =	sor.u32 $0x800, s14;
	s21 =	sor.u32 $0xC00, s14;
	[dreg:$0x5] =	wrdreg s0  }
0x10: {  	s15 =	simm.s32 $0xA200;
	s14 =	simm.s32 $0x4200;
	[dreg:$0x6] =	wrdreg s16  }
0x11: {  	s13 =	simm.s32 $0xC200;
	[dreg:$0x7] =	wrdreg s17;
	s18 =	sadd.s32 s3, s7  }
0x12: {  	s19 =	sadd.s32 s4, s7;
	s8 =	sadd.s32 s3, s20;
	s22 =	smax.u32 s6, $0x1  }
0x13: {  	s7 =	sadd.s32 s4, s20;
	s5 =	sadd.s32 s3, s21;
	p1 =	sne.s32 s22, $0x1  }
.Ltmp0:
0x14: {  	s3 =	sadd.s32 s4, s21;
	s17 =	simm.s32 $0x2200;
	(pc) =	sbr.rel @!p1 .LBB2_3-.Ltmp0, $4  }
0x15: {  	s21 =	simm.s32 $0x7;
	s20 =	simm.s32 $0x8;
	s16 =	simm.s32 $0x9  }
0x16: {  	s6 =	simm.s32 $0xA;
	s4 =	simm.s32 $0xB;
	[dreg:$0x8] =	wrdreg s18  }
0x17: {  	[dreg:$0x9] =	wrdreg s19;
	s19 =	simm.s32 $0x8200;
	s0 =	sadd.s32 $0xFFFFFFFF, s22  }
0x18: {  	s22 =	simm.s32 $0x4;
	s18 =	simm.s32 $0x5;
	s1 =	rddreg [dreg:$0x5]  }
0x19: {  	[tilespmem:s2], [sflag:$0x1] =	stream.linear.gather [hbm4b:s1+s2], $0x200, $0x38;
	[tilespmem:$0x10200] =	vst v63  }
0x1a: {  	_ =	swait.ge [sflag:s28], $0x200  }
0x1b: {  	[sflag:s28] =	ssyncset.done $0x0  }
0x1c: {  	[sflag:s28] =	ssyncadd.s32 $0xFFFFFE00  }
0x1d: {  	[tilespmem:s23], [sflag:$0x2] =	stream.indirect.gather [hbm4b:s10+s25], $0x40, s2, s25, $0xb8;
	[tilespmem:$0x10200] =	vst v63  }
0x1e: {  	_ = 	snop  }
0x1f: {  	[tilespmem:s19], [sflag:$0x6] =	stream.indirect.gather [hbm4b:s11+s25], $0x40, s2, s25, $0xb8;
	[tilespmem:$0x10200] =	vst v63  }
0x20: {  	_ = 	snop  }
0x21: {  	[tilespmem:s17], [sflag:$0x3] =	stream.indirect.gather [hbm4b:s10+s25], $0x40, s25, s25, $0xb8;
	[tilespmem:$0x10200] =	vst v63  }
0x22: {  	_ = 	snop  }
0x23: {  	[tilespmem:s15], [sflag:$0x7] =	stream.indirect.gather [hbm4b:s11+s25], $0x40, s25, s25, $0xb8;
	[tilespmem:$0x10200] =	vst v63  }
0x24: {  	_ = 	snop  }
0x25: {  	[tilespmem:s14], [sflag:$0x4] =	stream.indirect.gather [hbm4b:s10+s25], $0x40, s29, s25, $0xb8;
	[tilespmem:$0x10200] =	vst v63  }
0x26: {  	_ = 	snop  }
0x27: {  	[tilespmem:s13], [sflag:$0x8] =	stream.indirect.gather [hbm4b:s11+s25], $0x40, s29, s25, $0xb8;
	[tilespmem:$0x10200] =	vst v63  }
0x28: {  	_ = 	snop  }
0x29: {  	[tilespmem:s12], [sflag:$0x5] =	stream.indirect.gather [hbm4b:s10+s25], $0x40, s31, s25, $0xb8;
	[tilespmem:$0x10200] =	vst v63  }
0x2a: {  	_ = 	snop  }
0x2b: {  	[tilespmem:s9], [sflag:$0x9] =	stream.indirect.gather [hbm4b:s11+s25], $0x40, s31, s25, $0xb8;
	[tilespmem:$0x10200] =	vst v63  }
0x2c: {  	_ =	swait.ge [sflag:s30], $0x2000  }
0x2d: {  	[sflag:s30] =	ssyncset.done $0x0  }
0x2e: {  	s1 =	rddreg [dreg:$0x6];
	[sflag:s30] =	ssyncadd.s32 $0xFFFFE000  }
0x2f: {  	[hbm4b:s1+s2] =	stream.linear.scatter [tilespmem:s23], [sflag:$0xA], $0x2000, $0x38;
	[tilespmem:$0x10200] =	vst v63  }
0x30: {  	_ =	swait.ge [sflag:s26], $0x2000  }
0x31: {  	[sflag:s26] =	ssyncset.done $0x0  }
0x32: {  	s1 =	rddreg [dreg:$0x7];
	[sflag:s26] =	ssyncadd.s32 $0xFFFFE000  }
0x33: {  	[hbm4b:s1+s2] =	stream.linear.scatter [tilespmem:s19], [sflag:$0xB], $0x2000, $0x38;
	[tilespmem:$0x10200] =	vst v63  }
0x34: {  	_ =	swait.ge [sflag:s24], $0x2000  }
0x35: {  	[sflag:s24] =	ssyncset.done $0x0  }
0x36: {  	s1 =	rddreg [dreg:$0x8];
	[sflag:s24] =	ssyncadd.s32 $0xFFFFE000  }
0x37: {  	[hbm4b:s1+s2] =	stream.linear.scatter [tilespmem:s17], [sflag:$0xA], $0x2000, $0x38;
	[tilespmem:$0x10200] =	vst v63  }
0x38: {  	_ =	swait.ge [sflag:s21], $0x2000  }
0x39: {  	[sflag:s21] =	ssyncset.done $0x0  }
0x3a: {  	s1 =	rddreg [dreg:$0x9];
	[sflag:s21] =	ssyncadd.s32 $0xFFFFE000  }
0x3b: {  	[hbm4b:s1+s2] =	stream.linear.scatter [tilespmem:s15], [sflag:$0xB], $0x2000, $0x38;
	[tilespmem:$0x10200] =	vst v63  }
0x3c: {  	_ =	swait.ge [sflag:s22], $0x2000  }
0x3d: {  	[sflag:s22] =	ssyncset.done $0x0  }
0x3e: {  	[sflag:s22] =	ssyncadd.s32 $0xFFFFE000  }
0x3f: {  	[hbm4b:s8+s2] =	stream.linear.scatter [tilespmem:s14], [sflag:$0xA], $0x2000, $0x38;
	[tilespmem:$0x10200] =	vst v63  }
0x40: {  	_ =	swait.ge [sflag:s20], $0x2000  }
0x41: {  	[sflag:s20] =	ssyncset.done $0x0  }
0x42: {  	[sflag:s20] =	ssyncadd.s32 $0xFFFFE000  }
0x43: {  	[hbm4b:s7+s2] =	stream.linear.scatter [tilespmem:s13], [sflag:$0xB], $0x2000, $0x38;
	[tilespmem:$0x10200] =	vst v63  }
0x44: {  	_ =	swait.ge [sflag:s18], $0x2000  }
0x45: {  	[sflag:s18] =	ssyncset.done $0x0  }
0x46: {  	[sflag:s18] =	ssyncadd.s32 $0xFFFFE000  }
0x47: {  	[hbm4b:s5+s2] =	stream.linear.scatter [tilespmem:s12], [sflag:$0xA], $0x2000, $0x38;
	[tilespmem:$0x10200] =	vst v63  }
0x48: {  	_ =	swait.ge [sflag:s16], $0x2000  }
0x49: {  	[sflag:s16] =	ssyncset.done $0x0  }
0x4a: {  	[sflag:s16] =	ssyncadd.s32 $0xFFFFE000  }
0x4b: {  	[hbm4b:s3+s2] =	stream.linear.scatter [tilespmem:s9], [sflag:$0xB], $0x2000, $0x38;
	[tilespmem:$0x10200] =	vst v63  }
0x4c: {  	_ =	swait.ge [sflag:s6], $0x2000  }
0x4d: {  	[sflag:s6] =	ssyncset.done $0x0  }
0x4e: {  	[sflag:s6] =	ssyncadd.s32 $0xFFFFE000  }
0x4f: {  	_ =	swait.ge [sflag:s4], $0x2000  }
0x50: {  	[sflag:s4] =	ssyncset.done $0x0  }
0x51: {  	[sflag:s4] =	ssyncadd.s32 $0xFFFFE000  }
0x52: {  	_ =	swait.ge [sflag:s6], $0x2000  }
0x53: {  	[sflag:s6] =	ssyncset.done $0x0  }
0x54: {  	[sflag:s6] =	ssyncadd.s32 $0xFFFFE000  }
0x55: {  	_ =	swait.ge [sflag:s4], $0x2000  }
0x56: {  	[sflag:s4] =	ssyncset.done $0x0  }
0x57: {  	[sflag:s4] =	ssyncadd.s32 $0xFFFFE000  }
0x58: {  	_ =	swait.ge [sflag:s6], $0x2000  }
0x59: {  	[sflag:s6] =	ssyncset.done $0x0  }
0x5a: {  	[sflag:s6] =	ssyncadd.s32 $0xFFFFE000  }
0x5b: {  	_ =	swait.ge [sflag:s4], $0x2000  }
0x5c: {  	[sflag:s4] =	ssyncset.done $0x0  }
0x5d: {  	p1 =	sne.s32 s0, $0x1;
	[sflag:s4] =	ssyncadd.s32 $0xFFFFE000  }
.Ltmp1:
0x5e: {  	_ =	swait.ge [sflag:s6], $0x2000;
	(pc) =	sbr.rel @!p1 .LBB2_3-.Ltmp1, $4  }
0x5f: {  	[sflag:s6] =	ssyncset.done $0x0  }
0x60: {  	[sflag:s6] =	ssyncadd.s32 $0xFFFFE000  }
0x61: {  	s0 =	sadd.s32 $0xFFFFFFFF, s0;
	_ =	swait.ge [sflag:s4], $0x2000  }
0x62: {  	p0 =	por $0x1, $0x1;
	s1 =	rddreg [dreg:$0x5];
	[sflag:s4] =	ssyncset.done $0x0  }
.LBB2_2:
0x63: {  	[sflag:s4] =	ssyncadd.s32 $0xFFFFE000  }
0x64: {  	[tilespmem:s2], [sflag:$0x1] =	stream.linear.gather [hbm4b:s1+s2], $0x200, $0x38;
	[tilespmem:$0x10200] =	vst v63  }
0x65: {  	_ =	swait.ge [sflag:s28], $0x200  }
0x66: {  	[sflag:s28] =	ssyncset.done $0x0  }
0x67: {  	[sflag:s28] =	ssyncadd.s32 $0xFFFFFE00  }
0x68: {  	[tilespmem:s23], [sflag:$0x2] =	stream.indirect.gather [hbm4b:s10+s25], $0x40, s2, s25, $0xb8;
	[tilespmem:$0x10200] =	vst v63  }
0x69: {  	_ = 	snop  }
0x6a: {  	[tilespmem:s19], [sflag:$0x6] =	stream.indirect.gather [hbm4b:s11+s25], $0x40, s2, s25, $0xb8;
	[tilespmem:$0x10200] =	vst v63  }
0x6b: {  	_ = 	snop  }
0x6c: {  	[tilespmem:s17], [sflag:$0x3] =	stream.indirect.gather [hbm4b:s10+s25], $0x40, s25, s25, $0xb8;
	[tilespmem:$0x10200] =	vst v63  }
0x6d: {  	_ = 	snop  }
0x6e: {  	[tilespmem:s15], [sflag:$0x7] =	stream.indirect.gather [hbm4b:s11+s25], $0x40, s25, s25, $0xb8;
	[tilespmem:$0x10200] =	vst v63  }
0x6f: {  	_ = 	snop  }
0x70: {  	[tilespmem:s14], [sflag:$0x4] =	stream.indirect.gather [hbm4b:s10+s25], $0x40, s29, s25, $0xb8;
	[tilespmem:$0x10200] =	vst v63  }
0x71: {  	_ = 	snop  }
0x72: {  	[tilespmem:s13], [sflag:$0x8] =	stream.indirect.gather [hbm4b:s11+s25], $0x40, s29, s25, $0xb8;
	[tilespmem:$0x10200] =	vst v63  }
0x73: {  	_ = 	snop  }
0x74: {  	[tilespmem:s12], [sflag:$0x5] =	stream.indirect.gather [hbm4b:s10+s25], $0x40, s31, s25, $0xb8;
	[tilespmem:$0x10200] =	vst v63  }
0x75: {  	_ = 	snop  }
0x76: {  	[tilespmem:s9], [sflag:$0x9] =	stream.indirect.gather [hbm4b:s11+s25], $0x40, s31, s25, $0xb8;
	[tilespmem:$0x10200] =	vst v63  }
0x77: {  	_ =	swait.ge [sflag:s30], $0x2000  }
0x78: {  	[sflag:s30] =	ssyncset.done $0x0  }
0x79: {  	s1 =	rddreg [dreg:$0x6];
	[sflag:s30] =	ssyncadd.s32 $0xFFFFE000  }
0x7a: {  	[hbm4b:s1+s2] =	stream.linear.scatter [tilespmem:s23], [sflag:$0xA], $0x2000, $0x38;
	[tilespmem:$0x10200] =	vst v63  }
0x7b: {  	_ =	swait.ge [sflag:s26], $0x2000  }
0x7c: {  	[sflag:s26] =	ssyncset.done $0x0  }
0x7d: {  	s1 =	rddreg [dreg:$0x7];
	[sflag:s26] =	ssyncadd.s32 $0xFFFFE000  }
0x7e: {  	[hbm4b:s1+s2] =	stream.linear.scatter [tilespmem:s19], [sflag:$0xB], $0x2000, $0x38;
	[tilespmem:$0x10200] =	vst v63  }
0x7f: {  	_ =	swait.ge [sflag:s24], $0x2000  }
0x80: {  	[sflag:s24] =	ssyncset.done $0x0  }
0x81: {  	s1 =	rddreg [dreg:$0x8];
	[sflag:s24] =	ssyncadd.s32 $0xFFFFE000  }
0x82: {  	[hbm4b:s1+s2] =	stream.linear.scatter [tilespmem:s17], [sflag:$0xA], $0x2000, $0x38;
	[tilespmem:$0x10200] =	vst v63  }
0x83: {  	_ =	swait.ge [sflag:s21], $0x2000  }
0x84: {  	[sflag:s21] =	ssyncset.done $0x0  }
0x85: {  	s1 =	rddreg [dreg:$0x9];
	[sflag:s21] =	ssyncadd.s32 $0xFFFFE000  }
0x86: {  	[hbm4b:s1+s2] =	stream.linear.scatter [tilespmem:s15], [sflag:$0xB], $0x2000, $0x38;
	[tilespmem:$0x10200] =	vst v63  }
0x87: {  	_ =	swait.ge [sflag:s22], $0x2000  }
0x88: {  	[sflag:s22] =	ssyncset.done $0x0  }
0x89: {  	[sflag:s22] =	ssyncadd.s32 $0xFFFFE000  }
0x8a: {  	[hbm4b:s8+s2] =	stream.linear.scatter [tilespmem:s14], [sflag:$0xA], $0x2000, $0x38;
	[tilespmem:$0x10200] =	vst v63  }
0x8b: {  	_ =	swait.ge [sflag:s20], $0x2000  }
0x8c: {  	[sflag:s20] =	ssyncset.done $0x0  }
0x8d: {  	[sflag:s20] =	ssyncadd.s32 $0xFFFFE000  }
0x8e: {  	[hbm4b:s7+s2] =	stream.linear.scatter [tilespmem:s13], [sflag:$0xB], $0x2000, $0x38;
	[tilespmem:$0x10200] =	vst v63  }
0x8f: {  	_ =	swait.ge [sflag:s18], $0x2000  }
0x90: {  	[sflag:s18] =	ssyncset.done $0x0  }
0x91: {  	[sflag:s18] =	ssyncadd.s32 $0xFFFFE000  }
0x92: {  	[hbm4b:s5+s2] =	stream.linear.scatter [tilespmem:s12], [sflag:$0xA], $0x2000, $0x38;
	[tilespmem:$0x10200] =	vst v63  }
0x93: {  	_ =	swait.ge [sflag:s16], $0x2000  }
0x94: {  	[sflag:s16] =	ssyncset.done $0x0  }
0x95: {  	[sflag:s16] =	ssyncadd.s32 $0xFFFFE000  }
0x96: {  	[hbm4b:s3+s2] =	stream.linear.scatter [tilespmem:s9], [sflag:$0xB], $0x2000, $0x38;
	[tilespmem:$0x10200] =	vst v63  }
0x97: {  	_ =	swait.ge [sflag:s6], $0x2000  }
0x98: {  	[sflag:s6] =	ssyncset.done $0x0  }
0x99: {  	[sflag:s6] =	ssyncadd.s32 $0xFFFFE000  }
0x9a: {  	_ =	swait.ge [sflag:s4], $0x2000  }
0x9b: {  	[sflag:s4] =	ssyncset.done $0x0  }
0x9c: {  	[sflag:s4] =	ssyncadd.s32 $0xFFFFE000  }
0x9d: {  	_ =	swait.ge [sflag:s6], $0x2000  }
0x9e: {  	[sflag:s6] =	ssyncset.done $0x0  }
0x9f: {  	[sflag:s6] =	ssyncadd.s32 $0xFFFFE000  }
0xa0: {  	_ =	swait.ge [sflag:s4], $0x2000  }
0xa1: {  	[sflag:s4] =	ssyncset.done $0x0  }
0xa2: {  	[sflag:s4] =	ssyncadd.s32 $0xFFFFE000  }
0xa3: {  	_ =	swait.ge [sflag:s6], $0x2000  }
0xa4: {  	[sflag:s6] =	ssyncset.done $0x0  }
0xa5: {  	[sflag:s6] =	ssyncadd.s32 $0xFFFFE000  }
0xa6: {  	_ =	swait.ge [sflag:s4], $0x2000  }
0xa7: {  	[sflag:s4] =	ssyncset.done $0x0  }
0xa8: {  	p1 =	sne.s32 s0, $0x1;
	[sflag:s4] =	ssyncadd.s32 $0xFFFFE000  }
.Ltmp2:
0xa9: {  	_ =	swait.ge [sflag:s6], $0x2000;
	(pc) =	sbr.rel @p1 .LBB2_2-.Ltmp2, $4  }
0xaa: {  	[sflag:s6] =	ssyncset.done $0x0  }
0xab: {  	[sflag:s6] =	ssyncadd.s32 $0xFFFFE000  }
0xac: {  	_ =	swait.ge [sflag:s4], $0x2000  }
0xad: {  	s0 =	sadd.s32 $0xFFFFFFFF, s0;
	s1 =	rddreg [dreg:$0x5];
	[sflag:s4] =	ssyncset.done $0x0  }
.LBB2_3:
0xae: {  	[sflag:s4] =	ssyncadd.s32 @p0 $0xFFFFE000  }
0xaf: {  	[tilespmem:s2], [sflag:$0x1] =	stream.linear.gather [hbm4b:s1+s2], $0x200, $0x38;
	[tilespmem:$0x10200] =	vst v63  }
0xb0: {  	_ =	swait.ge [sflag:s28], $0x200  }
0xb1: {  	[sflag:s28] =	ssyncset.done $0x0  }
0xb2: {  	[sflag:s28] =	ssyncadd.s32 $0xFFFFFE00  }
0xb3: {  	[tilespmem:s23], [sflag:$0x2] =	stream.indirect.gather [hbm4b:s10+s25], $0x40, s2, s25, $0xb8;
	[tilespmem:$0x10200] =	vst v63  }
0xb4: {  	_ = 	snop  }
0xb5: {  	[tilespmem:s19], [sflag:$0x6] =	stream.indirect.gather [hbm4b:s11+s25], $0x40, s2, s25, $0xb8;
	[tilespmem:$0x10200] =	vst v63  }
0xb6: {  	_ = 	snop  }
0xb7: {  	[tilespmem:s17], [sflag:$0x3] =	stream.indirect.gather [hbm4b:s10+s25], $0x40, s25, s25, $0xb8;
	[tilespmem:$0x10200] =	vst v63  }
0xb8: {  	_ = 	snop  }
0xb9: {  	[tilespmem:s15], [sflag:$0x7] =	stream.indirect.gather [hbm4b:s11+s25], $0x40, s25, s25, $0xb8;
	[tilespmem:$0x10200] =	vst v63  }
0xba: {  	_ = 	snop  }
0xbb: {  	[tilespmem:s14], [sflag:$0x4] =	stream.indirect.gather [hbm4b:s10+s25], $0x40, s29, s25, $0xb8;
	[tilespmem:$0x10200] =	vst v63  }
0xbc: {  	_ = 	snop  }
0xbd: {  	[tilespmem:s13], [sflag:$0x8] =	stream.indirect.gather [hbm4b:s11+s25], $0x40, s29, s25, $0xb8;
	[tilespmem:$0x10200] =	vst v63  }
0xbe: {  	_ = 	snop  }
0xbf: {  	[tilespmem:s12], [sflag:$0x5] =	stream.indirect.gather [hbm4b:s10+s25], $0x40, s31, s25, $0xb8;
	[tilespmem:$0x10200] =	vst v63  }
0xc0: {  	_ = 	snop  }
0xc1: {  	[tilespmem:s9], [sflag:$0x9] =	stream.indirect.gather [hbm4b:s11+s25], $0x40, s31, s25, $0xb8;
	[tilespmem:$0x10200] =	vst v63  }
0xc2: {  	_ =	swait.ge [sflag:s30], $0x2000  }
0xc3: {  	[sflag:s30] =	ssyncset.done $0x0  }
0xc4: {  	s0 =	rddreg [dreg:$0x6];
	[sflag:s30] =	ssyncadd.s32 $0xFFFFE000  }
0xc5: {  	[hbm4b:s0+s2] =	stream.linear.scatter [tilespmem:s23], [sflag:$0xA], $0x2000, $0x38;
	[tilespmem:$0x10200] =	vst v63  }
0xc6: {  	_ =	swait.ge [sflag:s26], $0x2000  }
0xc7: {  	[sflag:s26] =	ssyncset.done $0x0  }
0xc8: {  	s28 =	rddreg [dreg:$0x7];
	[sflag:s26] =	ssyncadd.s32 $0xFFFFE000  }
0xc9: {  	[hbm4b:s28+s2] =	stream.linear.scatter [tilespmem:s19], [sflag:$0xB], $0x2000, $0x38;
	[tilespmem:$0x10200] =	vst v63  }
0xca: {  	_ =	swait.ge [sflag:s24], $0x2000  }
0xcb: {  	[sflag:s24] =	ssyncset.done $0x0  }
0xcc: {  	s29 =	rddreg [dreg:$0x8];
	[sflag:s24] =	ssyncadd.s32 $0xFFFFE000  }
0xcd: {  	[hbm4b:s29+s2] =	stream.linear.scatter [tilespmem:s17], [sflag:$0xA], $0x2000, $0x38;
	[tilespmem:$0x10200] =	vst v63  }
0xce: {  	_ =	swait.ge [sflag:s21], $0x2000  }
0xcf: {  	[sflag:s21] =	ssyncset.done $0x0  }
0xd0: {  	s30 =	rddreg [dreg:$0x9];
	[sflag:s21] =	ssyncadd.s32 $0xFFFFE000  }
0xd1: {  	[hbm4b:s30+s2] =	stream.linear.scatter [tilespmem:s15], [sflag:$0xB], $0x2000, $0x38;
	[tilespmem:$0x10200] =	vst v63  }
0xd2: {  	_ =	swait.ge [sflag:s22], $0x2000  }
0xd3: {  	[sflag:s22] =	ssyncset.done $0x0  }
0xd4: {  	[sflag:s22] =	ssyncadd.s32 $0xFFFFE000  }
0xd5: {  	[hbm4b:s8+s2] =	stream.linear.scatter [tilespmem:s14], [sflag:$0xA], $0x2000, $0x38;
	[tilespmem:$0x10200] =	vst v63  }
0xd6: {  	_ =	swait.ge [sflag:s20], $0x2000  }
0xd7: {  	[sflag:s20] =	ssyncset.done $0x0  }
0xd8: {  	[sflag:s20] =	ssyncadd.s32 $0xFFFFE000  }
0xd9: {  	[hbm4b:s7+s2] =	stream.linear.scatter [tilespmem:s13], [sflag:$0xB], $0x2000, $0x38;
	[tilespmem:$0x10200] =	vst v63  }
0xda: {  	_ =	swait.ge [sflag:s18], $0x2000  }
0xdb: {  	[sflag:s18] =	ssyncset.done $0x0  }
0xdc: {  	[sflag:s18] =	ssyncadd.s32 $0xFFFFE000  }
0xdd: {  	[hbm4b:s5+s2] =	stream.linear.scatter [tilespmem:s12], [sflag:$0xA], $0x2000, $0x38;
	[tilespmem:$0x10200] =	vst v63  }
0xde: {  	_ =	swait.ge [sflag:s16], $0x2000  }
0xdf: {  	[sflag:s16] =	ssyncset.done $0x0  }
0xe0: {  	[sflag:s16] =	ssyncadd.s32 $0xFFFFE000  }
0xe1: {  	[hbm4b:s3+s2] =	stream.linear.scatter [tilespmem:s9], [sflag:$0xB], $0x2000, $0x38;
	[tilespmem:$0x10200] =	vst v63  }
0xe2: {  	_ =	swait.ge [sflag:s6], $0x2000  }
0xe3: {  	[sflag:s6] =	ssyncset.done $0x0  }
0xe4: {  	[sflag:s6] =	ssyncadd.s32 $0xFFFFE000  }
0xe5: {  	_ =	swait.ge [sflag:s4], $0x2000  }
0xe6: {  	[sflag:s4] =	ssyncset.done $0x0  }
0xe7: {  	[sflag:s4] =	ssyncadd.s32 $0xFFFFE000  }
0xe8: {  	_ =	swait.ge [sflag:s6], $0x2000  }
0xe9: {  	[sflag:s6] =	ssyncset.done $0x0  }
0xea: {  	[sflag:s6] =	ssyncadd.s32 $0xFFFFE000  }
0xeb: {  	_ =	swait.ge [sflag:s4], $0x2000  }
0xec: {  	[sflag:s4] =	ssyncset.done $0x0  }
0xed: {  	[sflag:s4] =	ssyncadd.s32 $0xFFFFE000  }
0xee: {  	_ =	swait.ge [sflag:s6], $0x2000  }
0xef: {  	[sflag:s6] =	ssyncset.done $0x0  }
0xf0: {  	[sflag:s6] =	ssyncadd.s32 $0xFFFFE000  }
0xf1: {  	_ =	swait.ge [sflag:s4], $0x2000  }
0xf2: {  	[sflag:s4] =	ssyncset.done $0x0  }
0xf3: {  	[sflag:s4] =	ssyncadd.s32 $0xFFFFE000  }
0xf4: {  	_ =	swait.ge [sflag:s6], $0x2000  }
0xf5: {  	[sflag:s6] =	ssyncset.done $0x0  }
0xf6: {  	[sflag:s6] =	ssyncadd.s32 $0xFFFFE000  }
0xf7: {  	_ =	swait.ge [sflag:s4], $0x2000  }
0xf8: {  	[sflag:s4] =	ssyncset.done $0x0  }
0xf9: {  	[sflag:s4] =	ssyncadd.s32 $0xFFFFE000  }
0xfa: {  	_ =	sfence.sel $0x180000  }
0xfb: {  	[bflag:$0x0] =	sbarrier.arrive $0xFFFF  }
0xfc: {  	_ =	strace $0x90000047  }
0xfd: {  	s31 =	stileid.u32;
	[bflag:$0x2] =	sbarrier.arrive $0xFFFF  }
0xfe: {  	p0 =	sne.s32 s31, $0x0;
	s0 =	rddreg [dreg:$0x4]  }
0xff: {  	s0 =	sadd.s32 @!p0 $0x100000, s0  }
0x100: {  	[sflag:s0] =	ssyncadd.tile.s32 @!p0 $0x1;
	_ =	shalt  }
.Lfunc_end2:
_tile_overlayer_lowered:
.L_overlay_start_2:
0x101: {  	(tag) =	ssettag $0x2  }
0x102: {  	s0 =	rddreg [dreg:$0x0];
	s2 =	stileid.u32  }
0x103: {  	s1 =	rddreg [dreg:$0x1];
	p0 =	sne.s32 s2, $0x0  }
0x104: {  	s3 =	rddreg [dreg:$0x2];
	[bflag:$0x3] =	sbarrier.arrive $0xFFFF;
	s2 =	simm.s32 @!p0 $0x1C0C  }
0x105: {  	[timem:s3], [sflag:s2] =	dma.local @!p0 [hbm:s0], s1  }
0x106: {  	s0 =	simm.s32 @!p0 $0xC  }
0x107: {  	_ =	swait.ge @!p0 [sflag:s0], s1  }
0x108: {  	s1 =	ssub.s32 @!p0 $0x0, s1;
	[sflag:s0] =	ssyncset.done @!p0 $0x0  }
0x109: {  	[sflag:s0] =	ssyncadd.s32 @!p0 s1  }
0x10a: {  	[bflag:$0x3] =	sbarrier.arrive $0xFFFF  }
0x10b: {  	_ =	shalt  }

</sc_bundles>
